<compile_context>
chip_gen: v7x
topology: tpu7x:2x2x1
jax: 0.10.2.dev20260603
libtpu: 0.0.44.dev20260713+nightly
codegen_flags: <defaults>
</compile_context>

<pallas_src>
import functools

import jax
import jax.numpy as jnp
from jax import lax
from jax.experimental import pallas as pl
from jax.experimental.pallas import tpu as pltpu
from jax.experimental.pallas import tpu_sc as plsc

N = 10000
E = 160000
NC = 2
NS = 16
RPS = N // NS

_MESH = dict(core_axis_name="c", subcore_axis_name="s")


_DEG_B = 40
_DEG_EPW = E // (NC * NS)
_DEG_NB = _DEG_EPW // _DEG_B


@functools.partial(
    pl.kernel,
    out_type=jax.ShapeDtypeStruct((NC, NS, RPS, 128), jnp.float32),
    mesh=plsc.VectorSubcoreMesh(**_MESH),
    scratch_types=[
        pltpu.VMEM((_DEG_NB, _DEG_B), jnp.int32),
        pltpu.VMEM((_DEG_B, 128), jnp.float32),
        pltpu.VMEM_SHARED((N, 128), jnp.float32),
        pltpu.SemaphoreType.DMA,
    ],
)
def _deg_kernel(dst_hbm, z_hbm, ones_hbm, out_hbm, idx_v, ones_v, acc_sh, sem):
    c = lax.axis_index("c")
    s = lax.axis_index("s")
    pltpu.sync_copy(z_hbm, acc_sh.at[pl.ds(s * RPS, RPS)])
    pltpu.sync_copy(ones_hbm, ones_v)
    pltpu.sync_copy(dst_hbm.at[c, s], idx_v)
    plsc.subcore_barrier()

    def fire(j, carry):
        pltpu.async_copy(ones_v, acc_sh.at[idx_v.at[j]], sem, add=True)
        return carry

    lax.fori_loop(0, _DEG_NB, fire, 0)

    def drain(j, carry):
        pltpu.make_async_copy(ones_hbm, ones_v, sem).wait()
        return carry

    lax.fori_loop(0, _DEG_NB, drain, 0)
    plsc.subcore_barrier()
    pltpu.sync_copy(acc_sh.at[pl.ds(s * RPS, RPS)], out_hbm.at[c, s])


_AGG_B = 80
_AGG_EPS = E // NS
_AGG_NB = _AGG_EPS // _AGG_B


def _agg_body(h_hbm, src_i, dst_i, rows0, rows1, g0, g1, s0, s1,
              acc_sh, nb, b):
    def g(j):
        return h_hbm.at[src_i.at[pl.ds(j * b, b)]]

    pltpu.async_copy(g(0), rows0, g0)

    def pair(j2, carry):
        b0 = 2 * j2
        pltpu.async_copy(g(b0 + 1), rows1, g1)
        pltpu.make_async_copy(g(0), rows0, g0).wait()
        pltpu.sync_copy(rows0, acc_sh.at[dst_i.at[b0]], add=True)
        pltpu.async_copy(g(b0 + 2), rows0, g0)
        pltpu.make_async_copy(g(0), rows1, g1).wait()
        pltpu.sync_copy(rows1, acc_sh.at[dst_i.at[b0 + 1]], add=True)
        return carry

    lax.fori_loop(0, (nb - 1) // 2, pair, 0)
    pltpu.make_async_copy(g(0), rows0, g0).wait()
    pltpu.sync_copy(rows0, acc_sh.at[dst_i.at[nb - 1]], add=True)


@functools.partial(
    pl.kernel,
    out_type=jax.ShapeDtypeStruct((NC, NS, RPS, 128), jnp.float32),
    mesh=plsc.VectorSubcoreMesh(**_MESH),
    scratch_types=[
        pltpu.VMEM((_AGG_EPS,), jnp.int32),
        pltpu.VMEM((_AGG_NB, _AGG_B), jnp.int32),
        pltpu.VMEM((_AGG_B, 128), jnp.float32),
        pltpu.VMEM((_AGG_B, 128), jnp.float32),
        pltpu.VMEM_SHARED((N, 128), jnp.float32),
        pltpu.SemaphoreType.DMA,
        pltpu.SemaphoreType.DMA,
        pltpu.SemaphoreType.DMA,
        pltpu.SemaphoreType.DMA,
    ],
)
def _agg_split(h2n_hbm, srcc_hbm, dst_hbm, z_hbm, out_hbm,
               src_i, dst_i, rows0, rows1, acc_sh, g0, g1, s0, s1):
    c = lax.axis_index("c")
    s = lax.axis_index("s")
    pltpu.sync_copy(z_hbm, acc_sh.at[pl.ds(s * RPS, RPS)])
    pltpu.sync_copy(srcc_hbm.at[c, s], src_i)
    pltpu.sync_copy(dst_hbm.at[s], dst_i)
    plsc.subcore_barrier()
    _agg_body(h2n_hbm, src_i, dst_i, rows0, rows1, g0, g1, s0, s1, acc_sh,
              _AGG_NB, _AGG_B)
    plsc.subcore_barrier()
    pltpu.sync_copy(acc_sh.at[pl.ds(s * RPS, RPS)], out_hbm.at[c, s])

_AGG2_B = 40
_AGG2_EPW = E // (NC * NS)
_AGG2_NB = _AGG2_EPW // _AGG2_B


@functools.partial(
    pl.kernel,
    out_type=jax.ShapeDtypeStruct((NC, NS, RPS, 128), jnp.float32),
    mesh=plsc.VectorSubcoreMesh(**_MESH),
    scratch_types=[
        pltpu.VMEM((_AGG2_EPW,), jnp.int32),
        pltpu.VMEM((_AGG2_NB, _AGG2_B), jnp.int32),
        pltpu.VMEM((_AGG2_B, 128), jnp.float32),
        pltpu.VMEM((_AGG2_B, 128), jnp.float32),
        pltpu.VMEM_SHARED((N, 128), jnp.float32),
        pltpu.SemaphoreType.DMA,
        pltpu.SemaphoreType.DMA,
        pltpu.SemaphoreType.DMA,
        pltpu.SemaphoreType.DMA,
    ],
)
def _agg_full(h_hbm, src_hbm, dst_hbm, z_hbm, out_hbm,
              src_i, dst_i, rows0, rows1, acc_sh, g0, g1, s0, s1):
    c = lax.axis_index("c")
    s = lax.axis_index("s")
    pltpu.sync_copy(z_hbm, acc_sh.at[pl.ds(s * RPS, RPS)])
    pltpu.sync_copy(src_hbm.at[c, s], src_i)
    pltpu.sync_copy(dst_hbm.at[c, s], dst_i)
    plsc.subcore_barrier()
    _agg_body(h_hbm, src_i, dst_i, rows0, rows1, g0, g1, s0, s1, acc_sh,
              _AGG2_NB, _AGG2_B)
    plsc.subcore_barrier()
    pltpu.sync_copy(acc_sh.at[pl.ds(s * RPS, RPS)], out_hbm.at[c, s])


_BM = 1000
_GRID = N // _BM


def _dinv_from(p):
    return lax.rsqrt(1.0 + p[0, :, 0] + p[1, :, 0])


def _tc_a1_body(x_ref, w1_ref, u_ref):
    u_ref[...] = jnp.dot(x_ref[...], w1_ref[...],
                         preferred_element_type=jnp.float32,
                         precision=lax.Precision.HIGHEST)


_tc_a1 = pl.pallas_call(
    _tc_a1_body,
    grid=(_GRID,),
    in_specs=[
        pl.BlockSpec((_BM, 256), lambda m: (m, 0)),
        pl.BlockSpec((256, 256), lambda m: (0, 0)),
    ],
    out_specs=pl.BlockSpec((_BM, 256), lambda m: (m, 0)),
    out_shape=jax.ShapeDtypeStruct((N, 256), jnp.float32),
)


def _tc_a2_body(u_ref, p_ref, out_ref, d8_ref):
    dinv = _dinv_from(p_ref[...])
    hs = u_ref[...] * dinv[:, None]
    out_ref[0] = hs[:, :128]
    out_ref[1] = hs[:, 128:]
    d8_ref[...] = jnp.broadcast_to(dinv[:, None], (dinv.shape[0], 8))


_tc_a2 = pl.pallas_call(
    _tc_a2_body,
    grid=(_GRID,),
    in_specs=[
        pl.BlockSpec((_BM, 256), lambda m: (m, 0)),
        pl.BlockSpec((2, _BM, 128), lambda m: (0, m, 0)),
    ],
    out_specs=(pl.BlockSpec((2, _BM, 128), lambda m: (0, m, 0)),
               pl.BlockSpec((_BM, 8), lambda m: (m, 0))),
    out_shape=(jax.ShapeDtypeStruct((2, N, 128), jnp.float32),
               jax.ShapeDtypeStruct((N, 8), jnp.float32)),
)


def _tc_b_body(a1_ref, h1s_ref, d8_ref, b1_ref, w2_ref, h2s_ref):
    dinv = d8_ref[:, 0]
    t = jnp.concatenate(
        [a1_ref[0] + h1s_ref[0], a1_ref[1] + h1s_ref[1]], axis=1)
    t = jnp.maximum(t * dinv[:, None] + b1_ref[...], 0.0)
    h2 = jnp.dot(t, w2_ref[...], preferred_element_type=jnp.float32,
                 precision=lax.Precision.HIGHEST)
    h2s_ref[...] = h2 * dinv[:, None]


_tc_b = pl.pallas_call(
    _tc_b_body,
    grid=(_GRID,),
    in_specs=[
        pl.BlockSpec((2, _BM, 128), lambda m: (0, m, 0)),
        pl.BlockSpec((2, _BM, 128), lambda m: (0, m, 0)),
        pl.BlockSpec((_BM, 8), lambda m: (m, 0)),
        pl.BlockSpec((1, 256), lambda m: (0, 0)),
        pl.BlockSpec((256, 128), lambda m: (0, 0)),
    ],
    out_specs=pl.BlockSpec((_BM, 128), lambda m: (m, 0)),
    out_shape=jax.ShapeDtypeStruct((N, 128), jnp.float32),
)


def _tc_c_body(a2_ref, h2s_ref, d8_ref, b2_ref, out_ref):
    dinv = d8_ref[:, 0]
    t = a2_ref[0] + a2_ref[1] + h2s_ref[...]
    out_ref[...] = jnp.maximum(t * dinv[:, None] + b2_ref[...], 0.0)


_tc_c = pl.pallas_call(
    _tc_c_body,
    grid=(_GRID,),
    in_specs=[
        pl.BlockSpec((2, _BM, 128), lambda m: (0, m, 0)),
        pl.BlockSpec((_BM, 128), lambda m: (m, 0)),
        pl.BlockSpec((_BM, 8), lambda m: (m, 0)),
        pl.BlockSpec((1, 128), lambda m: (0, 0)),
    ],
    out_specs=pl.BlockSpec((_BM, 128), lambda m: (m, 0)),
    out_shape=jax.ShapeDtypeStruct((N, 128), jnp.float32),
)


def kernel(x, edge_index, W1, b1, W2, b2):
    src = edge_index[0].astype(jnp.int32)
    dst = edge_index[1].astype(jnp.int32)
    z128 = jnp.zeros((RPS, 128), jnp.float32)
    ones128 = jnp.ones((_DEG_B, 128), jnp.float32)
    dst4 = dst.reshape(NC, NS, _AGG2_NB, _AGG2_B)
    src3 = src.reshape(NC, NS, _AGG2_EPW)
    dst3 = dst.reshape(NS, _AGG_NB, _AGG_B)
    srcc = jnp.stack([src, src + N]).reshape(NC, NS, _AGG_EPS)

    u = _tc_a1(x, W1)
    p = _deg_kernel(dst4, z128, ones128).reshape(NC, N, 128)
    h1s, d8 = _tc_a2(u, p)
    a1 = _agg_split(h1s.reshape(2 * N, 128), srcc, dst3, z128)
    h2s = _tc_b(a1.reshape(NC, N, 128), h1s, d8, b1.reshape(1, 256), W2)
    a2 = _agg_full(h2s, src3, dst4, z128).reshape(NC, N, 128)
    return _tc_c(a2, h2s, d8, b2.reshape(1, 128))

# --- scband reference (transcript-rebuilt; emitter-appended) ---
"""Pipeline reference for scband-gaeencoder-36051955482713 (READ-ONLY COPY).

The authoritative reference and input builder live on the scoring server;
editing this copy changes nothing except your own understanding.
"""

import jax, jax.numpy as jnp
import numpy as np

N_NODES = 10000
IN_CH = 256
HID_CH = 256
OUT_CH = 128
N_EDGES = 160000


def _glorot(key, shape):
    fan_in, fan_out = shape[0], shape[1]
    limit = float(np.sqrt(6.0 / (fan_in + fan_out)))
    return jax.random.uniform(key, shape, dtype=jnp.float32, minval=-limit, maxval=limit)


def setup_inputs(seed: int = 0) -> dict:
    key = jax.random.key(seed)
    k_x, k_e, k_w1, k_w2 = jax.random.split(key, 4)
    x = jax.random.normal(k_x, (N_NODES, IN_CH), dtype=jnp.float32)
    edge_index = jax.random.randint(k_e, (2, N_EDGES), 0, N_NODES, dtype=jnp.int64)
    W1 = _glorot(k_w1, (IN_CH, HID_CH))
    b1 = jnp.zeros((HID_CH,), dtype=jnp.float32)
    W2 = _glorot(k_w2, (HID_CH, OUT_CH))
    b2 = jnp.zeros((OUT_CH,), dtype=jnp.float32)
    return {"x": x, "edge_index": edge_index, "W1": W1, "b1": b1, "W2": W2, "b2": b2}


def _gcn_conv(x, src, dst, W, b, num_nodes):
    # PyG GCNConv: linear transform, symmetric normalization with self-loops, aggregate, bias
    h = x @ W
    deg = jnp.zeros((num_nodes,), dtype=jnp.float32).at[dst].add(1.0)
    deg_inv_sqrt = jnp.where(deg > 0, 1.0 / jnp.sqrt(deg), 0.0)
    norm = deg_inv_sqrt[src] * deg_inv_sqrt[dst]
    msg = h[src] * norm[:, None]
    out = jnp.zeros((num_nodes, W.shape[1]), dtype=jnp.float32).at[dst].add(msg)
    return out + b


def reference(x, edge_index, W1, b1, W2, b2):
    num_nodes = x.shape[0]
    loop = jnp.arange(num_nodes, dtype=edge_index.dtype)
    src = jnp.concatenate([edge_index[0], loop])
    dst = jnp.concatenate([edge_index[1], loop])
    h = _gcn_conv(x, src, dst, W1, b1, num_nodes)
    h = jax.nn.relu(h)
    h = _gcn_conv(h, src, dst, W2, b2, num_nodes)
    h = jax.nn.relu(h)
    return h

if __name__ == "__main__":
    import jax
    _d = setup_inputs()
    print(jax.jit(kernel)(*tuple(_d.values())))

</pallas_src>

<mosaic_0001>
#map = affine_map<(d0, d1) -> (0, 0)>
#map1 = affine_map<(d0, d1) -> (0, 0, 0)>
#map2 = affine_map<(d0, d1) -> (0, 0, 0, 0)>
module attributes {stable_mosaic.version = 14 : i64} {
  func.func @_agg_full(%arg0: i32, %arg1: i32, %arg2: memref<10000x128xf32, #tpu.memory_space<hbm>>, %arg3: memref<2x16x5000xi32, #tpu.memory_space<hbm>>, %arg4: memref<2x16x125x40xi32, #tpu.memory_space<hbm>>, %arg5: memref<625x128xf32, #tpu.memory_space<hbm>>, %arg6: memref<2x16x625x128xf32, #tpu.memory_space<hbm>>, %arg7: memref<5000xi32, #tpu.memory_space<vmem>>, %arg8: memref<125x40xi32, #tpu.memory_space<vmem>>, %arg9: memref<40x128xf32, #tpu.memory_space<vmem>>, %arg10: memref<40x128xf32, #tpu.memory_space<vmem>>, %arg11: memref<10000x128xf32, #tpu.memory_space<vmem_shared>>, %arg12: memref<!tpu.dma_semaphore, #tpu.memory_space<semaphore_mem>>, %arg13: memref<!tpu.dma_semaphore, #tpu.memory_space<semaphore_mem>>, %arg14: memref<!tpu.dma_semaphore, #tpu.memory_space<semaphore_mem>>, %arg15: memref<!tpu.dma_semaphore, #tpu.memory_space<semaphore_mem>>) attributes {dimension_semantics = [#tpu.dimension_semantics<core_parallel>, #tpu.dimension_semantics<subcore_parallel>], iteration_bounds = array<i64: 2, 16>, scalar_prefetch = 0 : i64, scratch_operands = 9 : i64, tpu.core_type = #tpu.core_type<sc_vector_subcore>, window_params = [{transform_indices = #map}, {transform_indices = #map1}, {transform_indices = #map2}, {transform_indices = #map}, {transform_indices = #map2}]} {
    %mul3A = arith.constant 625 : i32
    %mul3A_0 = arith.muli %arg1, %mul3A : i32
    "tpu.region"() ({
      %run_scoped3A_17 = tpu.sem_alloc : memref<!tpu.dma_semaphore, #tpu.memory_space<semaphore_mem>>
      %dma_start3A_18 = arith.constant 0 : i32
      %dma_start3A_19 = tpu.memref_slice %arg11[%mul3A_0, %dma_start3A_18] : memref<10000x128xf32, #tpu.memory_space<vmem_shared>> -> memref<625x128xf32, #tpu.memory_space<vmem_shared>>
      tpu.enqueue_dma source(%arg5 : memref<625x128xf32, #tpu.memory_space<hbm>>) target(%dma_start3A_19 : memref<625x128xf32, #tpu.memory_space<vmem_shared>>) target_semaphore(%run_scoped3A_17 : memref<!tpu.dma_semaphore, #tpu.memory_space<semaphore_mem>>)
      %dma_wait3A_20 = arith.constant 0 : i32
      %dma_wait3A_21 = tpu.memref_slice %arg11[%mul3A_0, %dma_wait3A_20] : memref<10000x128xf32, #tpu.memory_space<vmem_shared>> -> memref<625x128xf32, #tpu.memory_space<vmem_shared>>
      tpu.wait_dma2 semaphore(%run_scoped3A_17 : memref<!tpu.dma_semaphore, #tpu.memory_space<semaphore_mem>>) src(%arg5 : memref<625x128xf32, #tpu.memory_space<hbm>>) dst(%dma_wait3A_21 : memref<625x128xf32, #tpu.memory_space<vmem_shared>>)
      tpu.yield
    }) : () -> ()
    "tpu.region"() ({
      %run_scoped3A_17 = tpu.sem_alloc : memref<!tpu.dma_semaphore, #tpu.memory_space<semaphore_mem>>
      %dma_start3A_18 = arith.constant 0 : i32
      %dma_start3A_19 = tpu.memref_slice %arg3[%arg0, %arg1, %dma_start3A_18] : memref<2x16x5000xi32, #tpu.memory_space<hbm>> -> memref<1x1x5000xi32, #tpu.memory_space<hbm>>
      %dma_start3A_20 = tpu.memref_squeeze %dma_start3A_19 : memref<1x1x5000xi32, #tpu.memory_space<hbm>> -> memref<5000xi32, #tpu.memory_space<hbm>>
      %dma_start3A_21 = arith.constant 0 : i32
      %dma_start3A_22 = tpu.memref_slice %arg3[%arg0, %arg1, %dma_start3A_21] : memref<2x16x5000xi32, #tpu.memory_space<hbm>> -> memref<1x1x5000xi32, #tpu.memory_space<hbm>>
      %dma_start3A_23 = tpu.memref_squeeze %dma_start3A_22 : memref<1x1x5000xi32, #tpu.memory_space<hbm>> -> memref<5000xi32, #tpu.memory_space<hbm>>
      tpu.enqueue_dma source(%dma_start3A_23 : memref<5000xi32, #tpu.memory_space<hbm>>) target(%arg7 : memref<5000xi32, #tpu.memory_space<vmem>>) target_semaphore(%run_scoped3A_17 : memref<!tpu.dma_semaphore, #tpu.memory_space<semaphore_mem>>)
      %dma_wait3A_24 = arith.constant 0 : i32
      %dma_wait3A_25 = tpu.memref_slice %arg3[%arg0, %arg1, %dma_wait3A_24] : memref<2x16x5000xi32, #tpu.memory_space<hbm>> -> memref<1x1x5000xi32, #tpu.memory_space<hbm>>
      %dma_wait3A_26 = tpu.memref_squeeze %dma_wait3A_25 : memref<1x1x5000xi32, #tpu.memory_space<hbm>> -> memref<5000xi32, #tpu.memory_space<hbm>>
      %dma_wait3A_27 = arith.constant 0 : i32
      %dma_wait3A_28 = tpu.memref_slice %arg3[%arg0, %arg1, %dma_wait3A_27] : memref<2x16x5000xi32, #tpu.memory_space<hbm>> -> memref<1x1x5000xi32, #tpu.memory_space<hbm>>
      %dma_wait3A_29 = tpu.memref_squeeze %dma_wait3A_28 : memref<1x1x5000xi32, #tpu.memory_space<hbm>> -> memref<5000xi32, #tpu.memory_space<hbm>>
      tpu.wait_dma2 semaphore(%run_scoped3A_17 : memref<!tpu.dma_semaphore, #tpu.memory_space<semaphore_mem>>) src(%dma_wait3A_29 : memref<5000xi32, #tpu.memory_space<hbm>>) dst(%arg7 : memref<5000xi32, #tpu.memory_space<vmem>>)
      tpu.yield
    }) : () -> ()
    "tpu.region"() ({
      %run_scoped3A_17 = tpu.sem_alloc : memref<!tpu.dma_semaphore, #tpu.memory_space<semaphore_mem>>
      %dma_start3A_18 = arith.constant 0 : i32
      %dma_start3A_19 = arith.constant 0 : i32
      %dma_start3A_20 = tpu.memref_slice %arg4[%arg0, %arg1, %dma_start3A_18, %dma_start3A_19] : memref<2x16x125x40xi32, #tpu.memory_space<hbm>> -> memref<1x1x125x40xi32, #tpu.memory_space<hbm>>
      %dma_start3A_21 = tpu.memref_squeeze %dma_start3A_20 : memref<1x1x125x40xi32, #tpu.memory_space<hbm>> -> memref<125x40xi32, #tpu.memory_space<hbm>>
      %dma_start3A_22 = arith.constant 0 : i32
      %dma_start3A_23 = arith.constant 0 : i32
      %dma_start3A_24 = tpu.memref_slice %arg4[%arg0, %arg1, %dma_start3A_22, %dma_start3A_23] : memref<2x16x125x40xi32, #tpu.memory_space<hbm>> -> memref<1x1x125x40xi32, #tpu.memory_space<hbm>>
      %dma_start3A_25 = tpu.memref_squeeze %dma_start3A_24 : memref<1x1x125x40xi32, #tpu.memory_space<hbm>> -> memref<125x40xi32, #tpu.memory_space<hbm>>
      tpu.enqueue_dma source(%dma_start3A_25 : memref<125x40xi32, #tpu.memory_space<hbm>>) target(%arg8 : memref<125x40xi32, #tpu.memory_space<vmem>>) target_semaphore(%run_scoped3A_17 : memref<!tpu.dma_semaphore, #tpu.memory_space<semaphore_mem>>)
      %dma_wait3A_26 = arith.constant 0 : i32
      %dma_wait3A_27 = arith.constant 0 : i32
      %dma_wait3A_28 = tpu.memref_slice %arg4[%arg0, %arg1, %dma_wait3A_26, %dma_wait3A_27] : memref<2x16x125x40xi32, #tpu.memory_space<hbm>> -> memref<1x1x125x40xi32, #tpu.memory_space<hbm>>
      %dma_wait3A_29 = tpu.memref_squeeze %dma_wait3A_28 : memref<1x1x125x40xi32, #tpu.memory_space<hbm>> -> memref<125x40xi32, #tpu.memory_space<hbm>>
      %dma_wait3A_30 = arith.constant 0 : i32
      %dma_wait3A_31 = arith.constant 0 : i32
      %dma_wait3A_32 = tpu.memref_slice %arg4[%arg0, %arg1, %dma_wait3A_30, %dma_wait3A_31] : memref<2x16x125x40xi32, #tpu.memory_space<hbm>> -> memref<1x1x125x40xi32, #tpu.memory_space<hbm>>
      %dma_wait3A_33 = tpu.memref_squeeze %dma_wait3A_32 : memref<1x1x125x40xi32, #tpu.memory_space<hbm>> -> memref<125x40xi32, #tpu.memory_space<hbm>>
      tpu.wait_dma2 semaphore(%run_scoped3A_17 : memref<!tpu.dma_semaphore, #tpu.memory_space<semaphore_mem>>) src(%dma_wait3A_33 : memref<125x40xi32, #tpu.memory_space<hbm>>) dst(%arg8 : memref<125x40xi32, #tpu.memory_space<vmem>>)
      tpu.yield
    }) : () -> ()
    %barrier3A = arith.constant 0 : index
    tpu.barrier barrier_id(%barrier3A)
    %dma_start3A = arith.constant 0 : i32
    %dma_start3A_1 = tpu.memref_slice %arg7[%dma_start3A] : memref<5000xi32, #tpu.memory_space<vmem>> -> memref<40xi32, #tpu.memory_space<vmem>>
    %dma_start3A_2 = arith.constant 0 : i32
    %dma_start3A_3 = arith.constant 0 : i32
    %dma_start3A_4 = tpu.memref_slice %arg2[%dma_start3A_2, %dma_start3A_3] : memref<10000x128xf32, #tpu.memory_space<hbm>> -> memref<10000x128xf32, #tpu.memory_space<hbm>>
    tpu.enqueue_indirect_dma source(%dma_start3A_4 : memref<10000x128xf32, #tpu.memory_space<hbm>>) target(%arg9 : memref<40x128xf32, #tpu.memory_space<vmem>>) offsets(%dma_start3A_1 : memref<40xi32, #tpu.memory_space<vmem>>) semaphore(%arg12 : memref<!tpu.dma_semaphore, #tpu.memory_space<semaphore_mem>>)
    %scan3A = arith.constant 0 : i32
    %scan3A_5 = arith.constant 0 : i32
    %scan3A_6 = arith.constant 62 : i32
    %scan3A_7 = arith.addi %scan3A_5, %scan3A_6 : i32
    %scan3A_8 = arith.constant 1 : i32
    scf.for %scan3A_17 = %scan3A_5 to %scan3A_7 step %scan3A_8  : i32 {
      %mul3A_18 = arith.constant 2 : i32
      %mul3A_19 = arith.muli %mul3A_18, %scan3A_17 : i32
      %add3A = arith.constant 1 : i32
      %add3A_20 = arith.addi %mul3A_19, %add3A : i32
      %mul3A_21 = arith.constant 40 : i32
      %mul3A_22 = arith.muli %add3A_20, %mul3A_21 : i32
      %dma_start3A_23 = tpu.memref_slice %arg7[%mul3A_22] : memref<5000xi32, #tpu.memory_space<vmem>> -> memref<40xi32, #tpu.memory_space<vmem>>
      %dma_start3A_24 = arith.constant 0 : i32
      %dma_start3A_25 = arith.constant 0 : i32
      %dma_start3A_26 = tpu.memref_slice %arg2[%dma_start3A_24, %dma_start3A_25] : memref<10000x128xf32, #tpu.memory_space<hbm>> -> memref<10000x128xf32, #tpu.memory_space<hbm>>
      tpu.enqueue_indirect_dma source(%dma_start3A_26 : memref<10000x128xf32, #tpu.memory_space<hbm>>) target(%arg10 : memref<40x128xf32, #tpu.memory_space<vmem>>) offsets(%dma_start3A_23 : memref<40xi32, #tpu.memory_space<vmem>>) semaphore(%arg13 : memref<!tpu.dma_semaphore, #tpu.memory_space<semaphore_mem>>)
      %dma_wait3A_27 = arith.constant 0 : i32
      %dma_wait3A_28 = tpu.memref_slice %arg7[%dma_wait3A_27] : memref<5000xi32, #tpu.memory_space<vmem>> -> memref<40xi32, #tpu.memory_space<vmem>>
      %dma_wait3A_29 = arith.constant 0 : i32
      %dma_wait3A_30 = arith.constant 0 : i32
      %dma_wait3A_31 = tpu.memref_slice %arg2[%dma_wait3A_29, %dma_wait3A_30] : memref<10000x128xf32, #tpu.memory_space<hbm>> -> memref<10000x128xf32, #tpu.memory_space<hbm>>
      tpu.wait_indirect_dma semaphore(%arg12 : memref<!tpu.dma_semaphore, #tpu.memory_space<semaphore_mem>>) src(%dma_wait3A_31 : memref<10000x128xf32, #tpu.memory_space<hbm>>) dst(%arg9 : memref<40x128xf32, #tpu.memory_space<vmem>>)
      "tpu.region"() ({
        %run_scoped3A_47 = tpu.sem_alloc : memref<!tpu.dma_semaphore, #tpu.memory_space<semaphore_mem>>
        %dma_start3A_48 = arith.constant 0 : i32
        %dma_start3A_49 = tpu.memref_slice %arg8[%mul3A_19, %dma_start3A_48] : memref<125x40xi32, #tpu.memory_space<vmem>> -> memref<1x40xi32, #tpu.memory_space<vmem>>
        %dma_start3A_50 = tpu.memref_squeeze %dma_start3A_49 : memref<1x40xi32, #tpu.memory_space<vmem>> -> memref<40xi32, #tpu.memory_space<vmem>>
        %dma_start3A_51 = arith.constant 0 : i32
        %dma_start3A_52 = arith.constant 0 : i32
        %dma_start3A_53 = tpu.memref_slice %arg11[%dma_start3A_51, %dma_start3A_52] : memref<10000x128xf32, #tpu.memory_space<vmem_shared>> -> memref<10000x128xf32, #tpu.memory_space<vmem_shared>>
        tpu.enqueue_indirect_dma source(%arg9 : memref<40x128xf32, #tpu.memory_space<vmem>>) target(%dma_start3A_53 : memref<10000x128xf32, #tpu.memory_space<vmem_shared>>) offsets(%dma_start3A_50 : memref<40xi32, #tpu.memory_space<vmem>>) semaphore(%run_scoped3A_47 : memref<!tpu.dma_semaphore, #tpu.memory_space<semaphore_mem>>) {add = true}
        %dma_wait3A_54 = arith.constant 0 : i32
        %dma_wait3A_55 = tpu.memref_slice %arg8[%mul3A_19, %dma_wait3A_54] : memref<125x40xi32, #tpu.memory_space<vmem>> -> memref<1x40xi32, #tpu.memory_space<vmem>>
        %dma_wait3A_56 = tpu.memref_squeeze %dma_wait3A_55 : memref<1x40xi32, #tpu.memory_space<vmem>> -> memref<40xi32, #tpu.memory_space<vmem>>
        %dma_wait3A_57 = arith.constant 0 : i32
        %dma_wait3A_58 = arith.constant 0 : i32
        %dma_wait3A_59 = tpu.memref_slice %arg11[%dma_wait3A_57, %dma_wait3A_58] : memref<10000x128xf32, #tpu.memory_space<vmem_shared>> -> memref<10000x128xf32, #tpu.memory_space<vmem_shared>>
        tpu.wait_indirect_dma semaphore(%run_scoped3A_47 : memref<!tpu.dma_semaphore, #tpu.memory_space<semaphore_mem>>) src(%arg9 : memref<40x128xf32, #tpu.memory_space<vmem>>) dst(%dma_wait3A_59 : memref<10000x128xf32, #tpu.memory_space<vmem_shared>>)
        tpu.yield
      }) : () -> ()
      %add3A_32 = arith.constant 2 : i32
      %add3A_33 = arith.addi %mul3A_19, %add3A_32 : i32
      %mul3A_34 = arith.constant 40 : i32
      %mul3A_35 = arith.muli %add3A_33, %mul3A_34 : i32
      %dma_start3A_36 = tpu.memref_slice %arg7[%mul3A_35] : memref<5000xi32, #tpu.memory_space<vmem>> -> memref<40xi32, #tpu.memory_space<vmem>>
      %dma_start3A_37 = arith.constant 0 : i32
      %dma_start3A_38 = arith.constant 0 : i32
      %dma_start3A_39 = tpu.memref_slice %arg2[%dma_start3A_37, %dma_start3A_38] : memref<10000x128xf32, #tpu.memory_space<hbm>> -> memref<10000x128xf32, #tpu.memory_space<hbm>>
      tpu.enqueue_indirect_dma source(%dma_start3A_39 : memref<10000x128xf32, #tpu.memory_space<hbm>>) target(%arg9 : memref<40x128xf32, #tpu.memory_space<vmem>>) offsets(%dma_start3A_36 : memref<40xi32, #tpu.memory_space<vmem>>) semaphore(%arg12 : memref<!tpu.dma_semaphore, #tpu.memory_space<semaphore_mem>>)
      %dma_wait3A_40 = arith.constant 0 : i32
      %dma_wait3A_41 = tpu.memref_slice %arg7[%dma_wait3A_40] : memref<5000xi32, #tpu.memory_space<vmem>> -> memref<40xi32, #tpu.memory_space<vmem>>
      %dma_wait3A_42 = arith.constant 0 : i32
      %dma_wait3A_43 = arith.constant 0 : i32
      %dma_wait3A_44 = tpu.memref_slice %arg2[%dma_wait3A_42, %dma_wait3A_43] : memref<10000x128xf32, #tpu.memory_space<hbm>> -> memref<10000x128xf32, #tpu.memory_space<hbm>>
      tpu.wait_indirect_dma semaphore(%arg13 : memref<!tpu.dma_semaphore, #tpu.memory_space<semaphore_mem>>) src(%dma_wait3A_44 : memref<10000x128xf32, #tpu.memory_space<hbm>>) dst(%arg10 : memref<40x128xf32, #tpu.memory_space<vmem>>)
      %add3A_45 = arith.constant 1 : i32
      %add3A_46 = arith.addi %mul3A_19, %add3A_45 : i32
      "tpu.region"() ({
        %run_scoped3A_47 = tpu.sem_alloc : memref<!tpu.dma_semaphore, #tpu.memory_space<semaphore_mem>>
        %dma_start3A_48 = arith.constant 0 : i32
        %dma_start3A_49 = tpu.memref_slice %arg8[%add3A_46, %dma_start3A_48] : memref<125x40xi32, #tpu.memory_space<vmem>> -> memref<1x40xi32, #tpu.memory_space<vmem>>
        %dma_start3A_50 = tpu.memref_squeeze %dma_start3A_49 : memref<1x40xi32, #tpu.memory_space<vmem>> -> memref<40xi32, #tpu.memory_space<vmem>>
        %dma_start3A_51 = arith.constant 0 : i32
        %dma_start3A_52 = arith.constant 0 : i32
        %dma_start3A_53 = tpu.memref_slice %arg11[%dma_start3A_51, %dma_start3A_52] : memref<10000x128xf32, #tpu.memory_space<vmem_shared>> -> memref<10000x128xf32, #tpu.memory_space<vmem_shared>>
        tpu.enqueue_indirect_dma source(%arg10 : memref<40x128xf32, #tpu.memory_space<vmem>>) target(%dma_start3A_53 : memref<10000x128xf32, #tpu.memory_space<vmem_shared>>) offsets(%dma_start3A_50 : memref<40xi32, #tpu.memory_space<vmem>>) semaphore(%run_scoped3A_47 : memref<!tpu.dma_semaphore, #tpu.memory_space<semaphore_mem>>) {add = true}
        %dma_wait3A_54 = arith.constant 0 : i32
        %dma_wait3A_55 = tpu.memref_slice %arg8[%add3A_46, %dma_wait3A_54] : memref<125x40xi32, #tpu.memory_space<vmem>> -> memref<1x40xi32, #tpu.memory_space<vmem>>
        %dma_wait3A_56 = tpu.memref_squeeze %dma_wait3A_55 : memref<1x40xi32, #tpu.memory_space<vmem>> -> memref<40xi32, #tpu.memory_space<vmem>>
        %dma_wait3A_57 = arith.constant 0 : i32
        %dma_wait3A_58 = arith.constant 0 : i32
        %dma_wait3A_59 = tpu.memref_slice %arg11[%dma_wait3A_57, %dma_wait3A_58] : memref<10000x128xf32, #tpu.memory_space<vmem_shared>> -> memref<10000x128xf32, #tpu.memory_space<vmem_shared>>
        tpu.wait_indirect_dma semaphore(%run_scoped3A_47 : memref<!tpu.dma_semaphore, #tpu.memory_space<semaphore_mem>>) src(%arg10 : memref<40x128xf32, #tpu.memory_space<vmem>>) dst(%dma_wait3A_59 : memref<10000x128xf32, #tpu.memory_space<vmem_shared>>)
        tpu.yield
      }) : () -> ()
    }
    %scan3A_9 = arith.constant 62 : i32
    %dma_wait3A = arith.constant 0 : i32
    %dma_wait3A_10 = tpu.memref_slice %arg7[%dma_wait3A] : memref<5000xi32, #tpu.memory_space<vmem>> -> memref<40xi32, #tpu.memory_space<vmem>>
    %dma_wait3A_11 = arith.constant 0 : i32
    %dma_wait3A_12 = arith.constant 0 : i32
    %dma_wait3A_13 = tpu.memref_slice %arg2[%dma_wait3A_11, %dma_wait3A_12] : memref<10000x128xf32, #tpu.memory_space<hbm>> -> memref<10000x128xf32, #tpu.memory_space<hbm>>
    tpu.wait_indirect_dma semaphore(%arg12 : memref<!tpu.dma_semaphore, #tpu.memory_space<semaphore_mem>>) src(%dma_wait3A_13 : memref<10000x128xf32, #tpu.memory_space<hbm>>) dst(%arg9 : memref<40x128xf32, #tpu.memory_space<vmem>>)
    %run_scoped3A = arith.constant 124 : i32
    "tpu.region"() ({
      %run_scoped3A_17 = tpu.sem_alloc : memref<!tpu.dma_semaphore, #tpu.memory_space<semaphore_mem>>
      %dma_start3A_18 = arith.constant 0 : i32
      %dma_start3A_19 = tpu.memref_slice %arg8[%run_scoped3A, %dma_start3A_18] : memref<125x40xi32, #tpu.memory_space<vmem>> -> memref<1x40xi32, #tpu.memory_space<vmem>>
      %dma_start3A_20 = tpu.memref_squeeze %dma_start3A_19 : memref<1x40xi32, #tpu.memory_space<vmem>> -> memref<40xi32, #tpu.memory_space<vmem>>
      %dma_start3A_21 = arith.constant 0 : i32
      %dma_start3A_22 = arith.constant 0 : i32
      %dma_start3A_23 = tpu.memref_slice %arg11[%dma_start3A_21, %dma_start3A_22] : memref<10000x128xf32, #tpu.memory_space<vmem_shared>> -> memref<10000x128xf32, #tpu.memory_space<vmem_shared>>
      tpu.enqueue_indirect_dma source(%arg9 : memref<40x128xf32, #tpu.memory_space<vmem>>) target(%dma_start3A_23 : memref<10000x128xf32, #tpu.memory_space<vmem_shared>>) offsets(%dma_start3A_20 : memref<40xi32, #tpu.memory_space<vmem>>) semaphore(%run_scoped3A_17 : memref<!tpu.dma_semaphore, #tpu.memory_space<semaphore_mem>>) {add = true}
      %dma_wait3A_24 = arith.constant 0 : i32
      %dma_wait3A_25 = tpu.memref_slice %arg8[%run_scoped3A, %dma_wait3A_24] : memref<125x40xi32, #tpu.memory_space<vmem>> -> memref<1x40xi32, #tpu.memory_space<vmem>>
      %dma_wait3A_26 = tpu.memref_squeeze %dma_wait3A_25 : memref<1x40xi32, #tpu.memory_space<vmem>> -> memref<40xi32, #tpu.memory_space<vmem>>
      %dma_wait3A_27 = arith.constant 0 : i32
      %dma_wait3A_28 = arith.constant 0 : i32
      %dma_wait3A_29 = tpu.memref_slice %arg11[%dma_wait3A_27, %dma_wait3A_28] : memref<10000x128xf32, #tpu.memory_space<vmem_shared>> -> memref<10000x128xf32, #tpu.memory_space<vmem_shared>>
      tpu.wait_indirect_dma semaphore(%run_scoped3A_17 : memref<!tpu.dma_semaphore, #tpu.memory_space<semaphore_mem>>) src(%arg9 : memref<40x128xf32, #tpu.memory_space<vmem>>) dst(%dma_wait3A_29 : memref<10000x128xf32, #tpu.memory_space<vmem_shared>>)
      tpu.yield
    }) : () -> ()
    %barrier3A_14 = arith.constant 0 : index
    tpu.barrier barrier_id(%barrier3A_14)
    %mul3A_15 = arith.constant 625 : i32
    %mul3A_16 = arith.muli %arg1, %mul3A_15 : i32
    "tpu.region"() ({
      %run_scoped3A_17 = tpu.sem_alloc : memref<!tpu.dma_semaphore, #tpu.memory_space<semaphore_mem>>
      %dma_start3A_18 = arith.constant 0 : i32
      %dma_start3A_19 = arith.constant 0 : i32
      %dma_start3A_20 = tpu.memref_slice %arg6[%arg0, %arg1, %dma_start3A_18, %dma_start3A_19] : memref<2x16x625x128xf32, #tpu.memory_space<hbm>> -> memref<1x1x625x128xf32, #tpu.memory_space<hbm>>
      %dma_start3A_21 = tpu.memref_squeeze %dma_start3A_20 : memref<1x1x625x128xf32, #tpu.memory_space<hbm>> -> memref<625x128xf32, #tpu.memory_space<hbm>>
      %dma_start3A_22 = arith.constant 0 : i32
      %dma_start3A_23 = tpu.memref_slice %arg11[%mul3A_16, %dma_start3A_22] : memref<10000x128xf32, #tpu.memory_space<vmem_shared>> -> memref<625x128xf32, #tpu.memory_space<vmem_shared>>
      tpu.enqueue_dma source(%dma_start3A_23 : memref<625x128xf32, #tpu.memory_space<vmem_shared>>) target(%dma_start3A_21 : memref<625x128xf32, #tpu.memory_space<hbm>>) target_semaphore(%run_scoped3A_17 : memref<!tpu.dma_semaphore, #tpu.memory_space<semaphore_mem>>)
      %dma_wait3A_24 = arith.constant 0 : i32
      %dma_wait3A_25 = arith.constant 0 : i32
      %dma_wait3A_26 = tpu.memref_slice %arg6[%arg0, %arg1, %dma_wait3A_24, %dma_wait3A_25] : memref<2x16x625x128xf32, #tpu.memory_space<hbm>> -> memref<1x1x625x128xf32, #tpu.memory_space<hbm>>
      %dma_wait3A_27 = tpu.memref_squeeze %dma_wait3A_26 : memref<1x1x625x128xf32, #tpu.memory_space<hbm>> -> memref<625x128xf32, #tpu.memory_space<hbm>>
      %dma_wait3A_28 = arith.constant 0 : i32
      %dma_wait3A_29 = tpu.memref_slice %arg11[%mul3A_16, %dma_wait3A_28] : memref<10000x128xf32, #tpu.memory_space<vmem_shared>> -> memref<625x128xf32, #tpu.memory_space<vmem_shared>>
      tpu.wait_dma2 semaphore(%run_scoped3A_17 : memref<!tpu.dma_semaphore, #tpu.memory_space<semaphore_mem>>) src(%dma_wait3A_29 : memref<625x128xf32, #tpu.memory_space<vmem_shared>>) dst(%dma_wait3A_27 : memref<625x128xf32, #tpu.memory_space<hbm>>)
      tpu.yield
    }) : () -> ()
    return
  }
}

#map = affine_map<(d0, d1) -> (0, 0, 0, 0)>
#map1 = affine_map<(d0, d1) -> (0, 0)>
module attributes {stable_mosaic.version = 14 : i64} {
  func.func @_deg_kernel(%arg0: i32, %arg1: i32, %arg2: memref<2x16x125x40xi32, #tpu.memory_space<hbm>>, %arg3: memref<625x128xf32, #tpu.memory_space<hbm>>, %arg4: memref<40x128xf32, #tpu.memory_space<hbm>>, %arg5: memref<2x16x625x128xf32, #tpu.memory_space<hbm>>, %arg6: memref<125x40xi32, #tpu.memory_space<vmem>>, %arg7: memref<40x128xf32, #tpu.memory_space<vmem>>, %arg8: memref<10000x128xf32, #tpu.memory_space<vmem_shared>>, %arg9: memref<!tpu.dma_semaphore, #tpu.memory_space<semaphore_mem>>) attributes {dimension_semantics = [#tpu.dimension_semantics<core_parallel>, #tpu.dimension_semantics<subcore_parallel>], iteration_bounds = array<i64: 2, 16>, scalar_prefetch = 0 : i64, scratch_operands = 4 : i64, tpu.core_type = #tpu.core_type<sc_vector_subcore>, window_params = [{transform_indices = #map}, {transform_indices = #map1}, {transform_indices = #map1}, {transform_indices = #map}]} {
    %mul3A = arith.constant 625 : i32
    %mul3A_0 = arith.muli %arg1, %mul3A : i32
    "tpu.region"() ({
      %run_scoped3A = tpu.sem_alloc : memref<!tpu.dma_semaphore, #tpu.memory_space<semaphore_mem>>
      %dma_start3A = arith.constant 0 : i32
      %dma_start3A_15 = tpu.memref_slice %arg8[%mul3A_0, %dma_start3A] : memref<10000x128xf32, #tpu.memory_space<vmem_shared>> -> memref<625x128xf32, #tpu.memory_space<vmem_shared>>
      tpu.enqueue_dma source(%arg3 : memref<625x128xf32, #tpu.memory_space<hbm>>) target(%dma_start3A_15 : memref<625x128xf32, #tpu.memory_space<vmem_shared>>) target_semaphore(%run_scoped3A : memref<!tpu.dma_semaphore, #tpu.memory_space<semaphore_mem>>)
      %dma_wait3A = arith.constant 0 : i32
      %dma_wait3A_16 = tpu.memref_slice %arg8[%mul3A_0, %dma_wait3A] : memref<10000x128xf32, #tpu.memory_space<vmem_shared>> -> memref<625x128xf32, #tpu.memory_space<vmem_shared>>
      tpu.wait_dma2 semaphore(%run_scoped3A : memref<!tpu.dma_semaphore, #tpu.memory_space<semaphore_mem>>) src(%arg3 : memref<625x128xf32, #tpu.memory_space<hbm>>) dst(%dma_wait3A_16 : memref<625x128xf32, #tpu.memory_space<vmem_shared>>)
      tpu.yield
    }) : () -> ()
    "tpu.region"() ({
      %run_scoped3A = tpu.sem_alloc : memref<!tpu.dma_semaphore, #tpu.memory_space<semaphore_mem>>
      tpu.enqueue_dma source(%arg4 : memref<40x128xf32, #tpu.memory_space<hbm>>) target(%arg7 : memref<40x128xf32, #tpu.memory_space<vmem>>) target_semaphore(%run_scoped3A : memref<!tpu.dma_semaphore, #tpu.memory_space<semaphore_mem>>)
      tpu.wait_dma2 semaphore(%run_scoped3A : memref<!tpu.dma_semaphore, #tpu.memory_space<semaphore_mem>>) src(%arg4 : memref<40x128xf32, #tpu.memory_space<hbm>>) dst(%arg7 : memref<40x128xf32, #tpu.memory_space<vmem>>)
      tpu.yield
    }) : () -> ()
    "tpu.region"() ({
      %run_scoped3A = tpu.sem_alloc : memref<!tpu.dma_semaphore, #tpu.memory_space<semaphore_mem>>
      %dma_start3A = arith.constant 0 : i32
      %dma_start3A_15 = arith.constant 0 : i32
      %dma_start3A_16 = tpu.memref_slice %arg2[%arg0, %arg1, %dma_start3A, %dma_start3A_15] : memref<2x16x125x40xi32, #tpu.memory_space<hbm>> -> memref<1x1x125x40xi32, #tpu.memory_space<hbm>>
      %dma_start3A_17 = tpu.memref_squeeze %dma_start3A_16 : memref<1x1x125x40xi32, #tpu.memory_space<hbm>> -> memref<125x40xi32, #tpu.memory_space<hbm>>
      %dma_start3A_18 = arith.constant 0 : i32
      %dma_start3A_19 = arith.constant 0 : i32
      %dma_start3A_20 = tpu.memref_slice %arg2[%arg0, %arg1, %dma_start3A_18, %dma_start3A_19] : memref<2x16x125x40xi32, #tpu.memory_space<hbm>> -> memref<1x1x125x40xi32, #tpu.memory_space<hbm>>
      %dma_start3A_21 = tpu.memref_squeeze %dma_start3A_20 : memref<1x1x125x40xi32, #tpu.memory_space<hbm>> -> memref<125x40xi32, #tpu.memory_space<hbm>>
      tpu.enqueue_dma source(%dma_start3A_21 : memref<125x40xi32, #tpu.memory_space<hbm>>) target(%arg6 : memref<125x40xi32, #tpu.memory_space<vmem>>) target_semaphore(%run_scoped3A : memref<!tpu.dma_semaphore, #tpu.memory_space<semaphore_mem>>)
      %dma_wait3A = arith.constant 0 : i32
      %dma_wait3A_22 = arith.constant 0 : i32
      %dma_wait3A_23 = tpu.memref_slice %arg2[%arg0, %arg1, %dma_wait3A, %dma_wait3A_22] : memref<2x16x125x40xi32, #tpu.memory_space<hbm>> -> memref<1x1x125x40xi32, #tpu.memory_space<hbm>>
      %dma_wait3A_24 = tpu.memref_squeeze %dma_wait3A_23 : memref<1x1x125x40xi32, #tpu.memory_space<hbm>> -> memref<125x40xi32, #tpu.memory_space<hbm>>
      %dma_wait3A_25 = arith.constant 0 : i32
      %dma_wait3A_26 = arith.constant 0 : i32
      %dma_wait3A_27 = tpu.memref_slice %arg2[%arg0, %arg1, %dma_wait3A_25, %dma_wait3A_26] : memref<2x16x125x40xi32, #tpu.memory_space<hbm>> -> memref<1x1x125x40xi32, #tpu.memory_space<hbm>>
      %dma_wait3A_28 = tpu.memref_squeeze %dma_wait3A_27 : memref<1x1x125x40xi32, #tpu.memory_space<hbm>> -> memref<125x40xi32, #tpu.memory_space<hbm>>
      tpu.wait_dma2 semaphore(%run_scoped3A : memref<!tpu.dma_semaphore, #tpu.memory_space<semaphore_mem>>) src(%dma_wait3A_28 : memref<125x40xi32, #tpu.memory_space<hbm>>) dst(%arg6 : memref<125x40xi32, #tpu.memory_space<vmem>>)
      tpu.yield
    }) : () -> ()
    %barrier3A = arith.constant 0 : index
    tpu.barrier barrier_id(%barrier3A)
    %scan3A = arith.constant 0 : i32
    %scan3A_1 = arith.constant 0 : i32
    %scan3A_2 = arith.constant 125 : i32
    %scan3A_3 = arith.addi %scan3A_1, %scan3A_2 : i32
    %scan3A_4 = arith.constant 1 : i32
    scf.for %scan3A_15 = %scan3A_1 to %scan3A_3 step %scan3A_4  : i32 {
      %dma_start3A = arith.constant 0 : i32
      %dma_start3A_16 = tpu.memref_slice %arg6[%scan3A_15, %dma_start3A] : memref<125x40xi32, #tpu.memory_space<vmem>> -> memref<1x40xi32, #tpu.memory_space<vmem>>
      %dma_start3A_17 = tpu.memref_squeeze %dma_start3A_16 : memref<1x40xi32, #tpu.memory_space<vmem>> -> memref<40xi32, #tpu.memory_space<vmem>>
      %dma_start3A_18 = arith.constant 0 : i32
      %dma_start3A_19 = arith.constant 0 : i32
      %dma_start3A_20 = tpu.memref_slice %arg8[%dma_start3A_18, %dma_start3A_19] : memref<10000x128xf32, #tpu.memory_space<vmem_shared>> -> memref<10000x128xf32, #tpu.memory_space<vmem_shared>>
      tpu.enqueue_indirect_dma source(%arg7 : memref<40x128xf32, #tpu.memory_space<vmem>>) target(%dma_start3A_20 : memref<10000x128xf32, #tpu.memory_space<vmem_shared>>) offsets(%dma_start3A_17 : memref<40xi32, #tpu.memory_space<vmem>>) semaphore(%arg9 : memref<!tpu.dma_semaphore, #tpu.memory_space<semaphore_mem>>) {add = true}
    }
    %scan3A_5 = arith.constant 125 : i32
    %scan3A_6 = arith.constant 0 : i32
    %scan3A_7 = arith.constant 0 : i32
    %scan3A_8 = arith.constant 125 : i32
    %scan3A_9 = arith.addi %scan3A_7, %scan3A_8 : i32
    %scan3A_10 = arith.constant 1 : i32
    scf.for %scan3A_15 = %scan3A_7 to %scan3A_9 step %scan3A_10  : i32 {
      tpu.wait_dma2 semaphore(%arg9 : memref<!tpu.dma_semaphore, #tpu.memory_space<semaphore_mem>>) src(%arg4 : memref<40x128xf32, #tpu.memory_space<hbm>>) dst(%arg7 : memref<40x128xf32, #tpu.memory_space<vmem>>)
    }
    %scan3A_11 = arith.constant 125 : i32
    %barrier3A_12 = arith.constant 0 : index
    tpu.barrier barrier_id(%barrier3A_12)
    %mul3A_13 = arith.constant 625 : i32
    %mul3A_14 = arith.muli %arg1, %mul3A_13 : i32
    "tpu.region"() ({
      %run_scoped3A = tpu.sem_alloc : memref<!tpu.dma_semaphore, #tpu.memory_space<semaphore_mem>>
      %dma_start3A = arith.constant 0 : i32
      %dma_start3A_15 = arith.constant 0 : i32
      %dma_start3A_16 = tpu.memref_slice %arg5[%arg0, %arg1, %dma_start3A, %dma_start3A_15] : memref<2x16x625x128xf32, #tpu.memory_space<hbm>> -> memref<1x1x625x128xf32, #tpu.memory_space<hbm>>
      %dma_start3A_17 = tpu.memref_squeeze %dma_start3A_16 : memref<1x1x625x128xf32, #tpu.memory_space<hbm>> -> memref<625x128xf32, #tpu.memory_space<hbm>>
      %dma_start3A_18 = arith.constant 0 : i32
      %dma_start3A_19 = tpu.memref_slice %arg8[%mul3A_14, %dma_start3A_18] : memref<10000x128xf32, #tpu.memory_space<vmem_shared>> -> memref<625x128xf32, #tpu.memory_space<vmem_shared>>
      tpu.enqueue_dma source(%dma_start3A_19 : memref<625x128xf32, #tpu.memory_space<vmem_shared>>) target(%dma_start3A_17 : memref<625x128xf32, #tpu.memory_space<hbm>>) target_semaphore(%run_scoped3A : memref<!tpu.dma_semaphore, #tpu.memory_space<semaphore_mem>>)
      %dma_wait3A = arith.constant 0 : i32
      %dma_wait3A_20 = arith.constant 0 : i32
      %dma_wait3A_21 = tpu.memref_slice %arg5[%arg0, %arg1, %dma_wait3A, %dma_wait3A_20] : memref<2x16x625x128xf32, #tpu.memory_space<hbm>> -> memref<1x1x625x128xf32, #tpu.memory_space<hbm>>
      %dma_wait3A_22 = tpu.memref_squeeze %dma_wait3A_21 : memref<1x1x625x128xf32, #tpu.memory_space<hbm>> -> memref<625x128xf32, #tpu.memory_space<hbm>>
      %dma_wait3A_23 = arith.constant 0 : i32
      %dma_wait3A_24 = tpu.memref_slice %arg8[%mul3A_14, %dma_wait3A_23] : memref<10000x128xf32, #tpu.memory_space<vmem_shared>> -> memref<625x128xf32, #tpu.memory_space<vmem_shared>>
      tpu.wait_dma2 semaphore(%run_scoped3A : memref<!tpu.dma_semaphore, #tpu.memory_space<semaphore_mem>>) src(%dma_wait3A_24 : memref<625x128xf32, #tpu.memory_space<vmem_shared>>) dst(%dma_wait3A_22 : memref<625x128xf32, #tpu.memory_space<hbm>>)
      tpu.yield
    }) : () -> ()
    return
  }
}

#map = affine_map<(d0, d1) -> (0, 0)>
#map1 = affine_map<(d0, d1) -> (0, 0, 0)>
#map2 = affine_map<(d0, d1) -> (0, 0, 0, 0)>
module attributes {stable_mosaic.version = 14 : i64} {
  func.func @_agg_split(%arg0: i32, %arg1: i32, %arg2: memref<20000x128xf32, #tpu.memory_space<hbm>>, %arg3: memref<2x16x10000xi32, #tpu.memory_space<hbm>>, %arg4: memref<16x125x80xi32, #tpu.memory_space<hbm>>, %arg5: memref<625x128xf32, #tpu.memory_space<hbm>>, %arg6: memref<2x16x625x128xf32, #tpu.memory_space<hbm>>, %arg7: memref<10000xi32, #tpu.memory_space<vmem>>, %arg8: memref<125x80xi32, #tpu.memory_space<vmem>>, %arg9: memref<80x128xf32, #tpu.memory_space<vmem>>, %arg10: memref<80x128xf32, #tpu.memory_space<vmem>>, %arg11: memref<10000x128xf32, #tpu.memory_space<vmem_shared>>, %arg12: memref<!tpu.dma_semaphore, #tpu.memory_space<semaphore_mem>>, %arg13: memref<!tpu.dma_semaphore, #tpu.memory_space<semaphore_mem>>, %arg14: memref<!tpu.dma_semaphore, #tpu.memory_space<semaphore_mem>>, %arg15: memref<!tpu.dma_semaphore, #tpu.memory_space<semaphore_mem>>) attributes {dimension_semantics = [#tpu.dimension_semantics<core_parallel>, #tpu.dimension_semantics<subcore_parallel>], iteration_bounds = array<i64: 2, 16>, scalar_prefetch = 0 : i64, scratch_operands = 9 : i64, tpu.core_type = #tpu.core_type<sc_vector_subcore>, window_params = [{transform_indices = #map}, {transform_indices = #map1}, {transform_indices = #map1}, {transform_indices = #map}, {transform_indices = #map2}]} {
    %mul3A = arith.constant 625 : i32
    %mul3A_0 = arith.muli %arg1, %mul3A : i32
    "tpu.region"() ({
      %run_scoped3A_17 = tpu.sem_alloc : memref<!tpu.dma_semaphore, #tpu.memory_space<semaphore_mem>>
      %dma_start3A_18 = arith.constant 0 : i32
      %dma_start3A_19 = tpu.memref_slice %arg11[%mul3A_0, %dma_start3A_18] : memref<10000x128xf32, #tpu.memory_space<vmem_shared>> -> memref<625x128xf32, #tpu.memory_space<vmem_shared>>
      tpu.enqueue_dma source(%arg5 : memref<625x128xf32, #tpu.memory_space<hbm>>) target(%dma_start3A_19 : memref<625x128xf32, #tpu.memory_space<vmem_shared>>) target_semaphore(%run_scoped3A_17 : memref<!tpu.dma_semaphore, #tpu.memory_space<semaphore_mem>>)
      %dma_wait3A_20 = arith.constant 0 : i32
      %dma_wait3A_21 = tpu.memref_slice %arg11[%mul3A_0, %dma_wait3A_20] : memref<10000x128xf32, #tpu.memory_space<vmem_shared>> -> memref<625x128xf32, #tpu.memory_space<vmem_shared>>
      tpu.wait_dma2 semaphore(%run_scoped3A_17 : memref<!tpu.dma_semaphore, #tpu.memory_space<semaphore_mem>>) src(%arg5 : memref<625x128xf32, #tpu.memory_space<hbm>>) dst(%dma_wait3A_21 : memref<625x128xf32, #tpu.memory_space<vmem_shared>>)
      tpu.yield
    }) : () -> ()
    "tpu.region"() ({
      %run_scoped3A_17 = tpu.sem_alloc : memref<!tpu.dma_semaphore, #tpu.memory_space<semaphore_mem>>
      %dma_start3A_18 = arith.constant 0 : i32
      %dma_start3A_19 = tpu.memref_slice %arg3[%arg0, %arg1, %dma_start3A_18] : memref<2x16x10000xi32, #tpu.memory_space<hbm>> -> memref<1x1x10000xi32, #tpu.memory_space<hbm>>
      %dma_start3A_20 = tpu.memref_squeeze %dma_start3A_19 : memref<1x1x10000xi32, #tpu.memory_space<hbm>> -> memref<10000xi32, #tpu.memory_space<hbm>>
      %dma_start3A_21 = arith.constant 0 : i32
      %dma_start3A_22 = tpu.memref_slice %arg3[%arg0, %arg1, %dma_start3A_21] : memref<2x16x10000xi32, #tpu.memory_space<hbm>> -> memref<1x1x10000xi32, #tpu.memory_space<hbm>>
      %dma_start3A_23 = tpu.memref_squeeze %dma_start3A_22 : memref<1x1x10000xi32, #tpu.memory_space<hbm>> -> memref<10000xi32, #tpu.memory_space<hbm>>
      tpu.enqueue_dma source(%dma_start3A_23 : memref<10000xi32, #tpu.memory_space<hbm>>) target(%arg7 : memref<10000xi32, #tpu.memory_space<vmem>>) target_semaphore(%run_scoped3A_17 : memref<!tpu.dma_semaphore, #tpu.memory_space<semaphore_mem>>)
      %dma_wait3A_24 = arith.constant 0 : i32
      %dma_wait3A_25 = tpu.memref_slice %arg3[%arg0, %arg1, %dma_wait3A_24] : memref<2x16x10000xi32, #tpu.memory_space<hbm>> -> memref<1x1x10000xi32, #tpu.memory_space<hbm>>
      %dma_wait3A_26 = tpu.memref_squeeze %dma_wait3A_25 : memref<1x1x10000xi32, #tpu.memory_space<hbm>> -> memref<10000xi32, #tpu.memory_space<hbm>>
      %dma_wait3A_27 = arith.constant 0 : i32
      %dma_wait3A_28 = tpu.memref_slice %arg3[%arg0, %arg1, %dma_wait3A_27] : memref<2x16x10000xi32, #tpu.memory_space<hbm>> -> memref<1x1x10000xi32, #tpu.memory_space<hbm>>
      %dma_wait3A_29 = tpu.memref_squeeze %dma_wait3A_28 : memref<1x1x10000xi32, #tpu.memory_space<hbm>> -> memref<10000xi32, #tpu.memory_space<hbm>>
      tpu.wait_dma2 semaphore(%run_scoped3A_17 : memref<!tpu.dma_semaphore, #tpu.memory_space<semaphore_mem>>) src(%dma_wait3A_29 : memref<10000xi32, #tpu.memory_space<hbm>>) dst(%arg7 : memref<10000xi32, #tpu.memory_space<vmem>>)
      tpu.yield
    }) : () -> ()
    "tpu.region"() ({
      %run_scoped3A_17 = tpu.sem_alloc : memref<!tpu.dma_semaphore, #tpu.memory_space<semaphore_mem>>
      %dma_start3A_18 = arith.constant 0 : i32
      %dma_start3A_19 = arith.constant 0 : i32
      %dma_start3A_20 = tpu.memref_slice %arg4[%arg1, %dma_start3A_18, %dma_start3A_19] : memref<16x125x80xi32, #tpu.memory_space<hbm>> -> memref<1x125x80xi32, #tpu.memory_space<hbm>>
      %dma_start3A_21 = tpu.memref_squeeze %dma_start3A_20 : memref<1x125x80xi32, #tpu.memory_space<hbm>> -> memref<125x80xi32, #tpu.memory_space<hbm>>
      %dma_start3A_22 = arith.constant 0 : i32
      %dma_start3A_23 = arith.constant 0 : i32
      %dma_start3A_24 = tpu.memref_slice %arg4[%arg1, %dma_start3A_22, %dma_start3A_23] : memref<16x125x80xi32, #tpu.memory_space<hbm>> -> memref<1x125x80xi32, #tpu.memory_space<hbm>>
      %dma_start3A_25 = tpu.memref_squeeze %dma_start3A_24 : memref<1x125x80xi32, #tpu.memory_space<hbm>> -> memref<125x80xi32, #tpu.memory_space<hbm>>
      tpu.enqueue_dma source(%dma_start3A_25 : memref<125x80xi32, #tpu.memory_space<hbm>>) target(%arg8 : memref<125x80xi32, #tpu.memory_space<vmem>>) target_semaphore(%run_scoped3A_17 : memref<!tpu.dma_semaphore, #tpu.memory_space<semaphore_mem>>)
      %dma_wait3A_26 = arith.constant 0 : i32
      %dma_wait3A_27 = arith.constant 0 : i32
      %dma_wait3A_28 = tpu.memref_slice %arg4[%arg1, %dma_wait3A_26, %dma_wait3A_27] : memref<16x125x80xi32, #tpu.memory_space<hbm>> -> memref<1x125x80xi32, #tpu.memory_space<hbm>>
      %dma_wait3A_29 = tpu.memref_squeeze %dma_wait3A_28 : memref<1x125x80xi32, #tpu.memory_space<hbm>> -> memref<125x80xi32, #tpu.memory_space<hbm>>
      %dma_wait3A_30 = arith.constant 0 : i32
      %dma_wait3A_31 = arith.constant 0 : i32
      %dma_wait3A_32 = tpu.memref_slice %arg4[%arg1, %dma_wait3A_30, %dma_wait3A_31] : memref<16x125x80xi32, #tpu.memory_space<hbm>> -> memref<1x125x80xi32, #tpu.memory_space<hbm>>
      %dma_wait3A_33 = tpu.memref_squeeze %dma_wait3A_32 : memref<1x125x80xi32, #tpu.memory_space<hbm>> -> memref<125x80xi32, #tpu.memory_space<hbm>>
      tpu.wait_dma2 semaphore(%run_scoped3A_17 : memref<!tpu.dma_semaphore, #tpu.memory_space<semaphore_mem>>) src(%dma_wait3A_33 : memref<125x80xi32, #tpu.memory_space<hbm>>) dst(%arg8 : memref<125x80xi32, #tpu.memory_space<vmem>>)
      tpu.yield
    }) : () -> ()
    %barrier3A = arith.constant 0 : index
    tpu.barrier barrier_id(%barrier3A)
    %dma_start3A = arith.constant 0 : i32
    %dma_start3A_1 = tpu.memref_slice %arg7[%dma_start3A] : memref<10000xi32, #tpu.memory_space<vmem>> -> memref<80xi32, #tpu.memory_space<vmem>>
    %dma_start3A_2 = arith.constant 0 : i32
    %dma_start3A_3 = arith.constant 0 : i32
    %dma_start3A_4 = tpu.memref_slice %arg2[%dma_start3A_2, %dma_start3A_3] : memref<20000x128xf32, #tpu.memory_space<hbm>> -> memref<20000x128xf32, #tpu.memory_space<hbm>>
    tpu.enqueue_indirect_dma source(%dma_start3A_4 : memref<20000x128xf32, #tpu.memory_space<hbm>>) target(%arg9 : memref<80x128xf32, #tpu.memory_space<vmem>>) offsets(%dma_start3A_1 : memref<80xi32, #tpu.memory_space<vmem>>) semaphore(%arg12 : memref<!tpu.dma_semaphore, #tpu.memory_space<semaphore_mem>>)
    %scan3A = arith.constant 0 : i32
    %scan3A_5 = arith.constant 0 : i32
    %scan3A_6 = arith.constant 62 : i32
    %scan3A_7 = arith.addi %scan3A_5, %scan3A_6 : i32
    %scan3A_8 = arith.constant 1 : i32
    scf.for %scan3A_17 = %scan3A_5 to %scan3A_7 step %scan3A_8  : i32 {
      %mul3A_18 = arith.constant 2 : i32
      %mul3A_19 = arith.muli %mul3A_18, %scan3A_17 : i32
      %add3A = arith.constant 1 : i32
      %add3A_20 = arith.addi %mul3A_19, %add3A : i32
      %mul3A_21 = arith.constant 80 : i32
      %mul3A_22 = arith.muli %add3A_20, %mul3A_21 : i32
      %dma_start3A_23 = tpu.memref_slice %arg7[%mul3A_22] : memref<10000xi32, #tpu.memory_space<vmem>> -> memref<80xi32, #tpu.memory_space<vmem>>
      %dma_start3A_24 = arith.constant 0 : i32
      %dma_start3A_25 = arith.constant 0 : i32
      %dma_start3A_26 = tpu.memref_slice %arg2[%dma_start3A_24, %dma_start3A_25] : memref<20000x128xf32, #tpu.memory_space<hbm>> -> memref<20000x128xf32, #tpu.memory_space<hbm>>
      tpu.enqueue_indirect_dma source(%dma_start3A_26 : memref<20000x128xf32, #tpu.memory_space<hbm>>) target(%arg10 : memref<80x128xf32, #tpu.memory_space<vmem>>) offsets(%dma_start3A_23 : memref<80xi32, #tpu.memory_space<vmem>>) semaphore(%arg13 : memref<!tpu.dma_semaphore, #tpu.memory_space<semaphore_mem>>)
      %dma_wait3A_27 = arith.constant 0 : i32
      %dma_wait3A_28 = tpu.memref_slice %arg7[%dma_wait3A_27] : memref<10000xi32, #tpu.memory_space<vmem>> -> memref<80xi32, #tpu.memory_space<vmem>>
      %dma_wait3A_29 = arith.constant 0 : i32
      %dma_wait3A_30 = arith.constant 0 : i32
      %dma_wait3A_31 = tpu.memref_slice %arg2[%dma_wait3A_29, %dma_wait3A_30] : memref<20000x128xf32, #tpu.memory_space<hbm>> -> memref<20000x128xf32, #tpu.memory_space<hbm>>
      tpu.wait_indirect_dma semaphore(%arg12 : memref<!tpu.dma_semaphore, #tpu.memory_space<semaphore_mem>>) src(%dma_wait3A_31 : memref<20000x128xf32, #tpu.memory_space<hbm>>) dst(%arg9 : memref<80x128xf32, #tpu.memory_space<vmem>>)
      "tpu.region"() ({
        %run_scoped3A_47 = tpu.sem_alloc : memref<!tpu.dma_semaphore, #tpu.memory_space<semaphore_mem>>
        %dma_start3A_48 = arith.constant 0 : i32
        %dma_start3A_49 = tpu.memref_slice %arg8[%mul3A_19, %dma_start3A_48] : memref<125x80xi32, #tpu.memory_space<vmem>> -> memref<1x80xi32, #tpu.memory_space<vmem>>
        %dma_start3A_50 = tpu.memref_squeeze %dma_start3A_49 : memref<1x80xi32, #tpu.memory_space<vmem>> -> memref<80xi32, #tpu.memory_space<vmem>>
        %dma_start3A_51 = arith.constant 0 : i32
        %dma_start3A_52 = arith.constant 0 : i32
        %dma_start3A_53 = tpu.memref_slice %arg11[%dma_start3A_51, %dma_start3A_52] : memref<10000x128xf32, #tpu.memory_space<vmem_shared>> -> memref<10000x128xf32, #tpu.memory_space<vmem_shared>>
        tpu.enqueue_indirect_dma source(%arg9 : memref<80x128xf32, #tpu.memory_space<vmem>>) target(%dma_start3A_53 : memref<10000x128xf32, #tpu.memory_space<vmem_shared>>) offsets(%dma_start3A_50 : memref<80xi32, #tpu.memory_space<vmem>>) semaphore(%run_scoped3A_47 : memref<!tpu.dma_semaphore, #tpu.memory_space<semaphore_mem>>) {add = true}
        %dma_wait3A_54 = arith.constant 0 : i32
        %dma_wait3A_55 = tpu.memref_slice %arg8[%mul3A_19, %dma_wait3A_54] : memref<125x80xi32, #tpu.memory_space<vmem>> -> memref<1x80xi32, #tpu.memory_space<vmem>>
        %dma_wait3A_56 = tpu.memref_squeeze %dma_wait3A_55 : memref<1x80xi32, #tpu.memory_space<vmem>> -> memref<80xi32, #tpu.memory_space<vmem>>
        %dma_wait3A_57 = arith.constant 0 : i32
        %dma_wait3A_58 = arith.constant 0 : i32
        %dma_wait3A_59 = tpu.memref_slice %arg11[%dma_wait3A_57, %dma_wait3A_58] : memref<10000x128xf32, #tpu.memory_space<vmem_shared>> -> memref<10000x128xf32, #tpu.memory_space<vmem_shared>>
        tpu.wait_indirect_dma semaphore(%run_scoped3A_47 : memref<!tpu.dma_semaphore, #tpu.memory_space<semaphore_mem>>) src(%arg9 : memref<80x128xf32, #tpu.memory_space<vmem>>) dst(%dma_wait3A_59 : memref<10000x128xf32, #tpu.memory_space<vmem_shared>>)
        tpu.yield
      }) : () -> ()
      %add3A_32 = arith.constant 2 : i32
      %add3A_33 = arith.addi %mul3A_19, %add3A_32 : i32
      %mul3A_34 = arith.constant 80 : i32
      %mul3A_35 = arith.muli %add3A_33, %mul3A_34 : i32
      %dma_start3A_36 = tpu.memref_slice %arg7[%mul3A_35] : memref<10000xi32, #tpu.memory_space<vmem>> -> memref<80xi32, #tpu.memory_space<vmem>>
      %dma_start3A_37 = arith.constant 0 : i32
      %dma_start3A_38 = arith.constant 0 : i32
      %dma_start3A_39 = tpu.memref_slice %arg2[%dma_start3A_37, %dma_start3A_38] : memref<20000x128xf32, #tpu.memory_space<hbm>> -> memref<20000x128xf32, #tpu.memory_space<hbm>>
      tpu.enqueue_indirect_dma source(%dma_start3A_39 : memref<20000x128xf32, #tpu.memory_space<hbm>>) target(%arg9 : memref<80x128xf32, #tpu.memory_space<vmem>>) offsets(%dma_start3A_36 : memref<80xi32, #tpu.memory_space<vmem>>) semaphore(%arg12 : memref<!tpu.dma_semaphore, #tpu.memory_space<semaphore_mem>>)
      %dma_wait3A_40 = arith.constant 0 : i32
      %dma_wait3A_41 = tpu.memref_slice %arg7[%dma_wait3A_40] : memref<10000xi32, #tpu.memory_space<vmem>> -> memref<80xi32, #tpu.memory_space<vmem>>
      %dma_wait3A_42 = arith.constant 0 : i32
      %dma_wait3A_43 = arith.constant 0 : i32
      %dma_wait3A_44 = tpu.memref_slice %arg2[%dma_wait3A_42, %dma_wait3A_43] : memref<20000x128xf32, #tpu.memory_space<hbm>> -> memref<20000x128xf32, #tpu.memory_space<hbm>>
      tpu.wait_indirect_dma semaphore(%arg13 : memref<!tpu.dma_semaphore, #tpu.memory_space<semaphore_mem>>) src(%dma_wait3A_44 : memref<20000x128xf32, #tpu.memory_space<hbm>>) dst(%arg10 : memref<80x128xf32, #tpu.memory_space<vmem>>)
      %add3A_45 = arith.constant 1 : i32
      %add3A_46 = arith.addi %mul3A_19, %add3A_45 : i32
      "tpu.region"() ({
        %run_scoped3A_47 = tpu.sem_alloc : memref<!tpu.dma_semaphore, #tpu.memory_space<semaphore_mem>>
        %dma_start3A_48 = arith.constant 0 : i32
        %dma_start3A_49 = tpu.memref_slice %arg8[%add3A_46, %dma_start3A_48] : memref<125x80xi32, #tpu.memory_space<vmem>> -> memref<1x80xi32, #tpu.memory_space<vmem>>
        %dma_start3A_50 = tpu.memref_squeeze %dma_start3A_49 : memref<1x80xi32, #tpu.memory_space<vmem>> -> memref<80xi32, #tpu.memory_space<vmem>>
        %dma_start3A_51 = arith.constant 0 : i32
        %dma_start3A_52 = arith.constant 0 : i32
        %dma_start3A_53 = tpu.memref_slice %arg11[%dma_start3A_51, %dma_start3A_52] : memref<10000x128xf32, #tpu.memory_space<vmem_shared>> -> memref<10000x128xf32, #tpu.memory_space<vmem_shared>>
        tpu.enqueue_indirect_dma source(%arg10 : memref<80x128xf32, #tpu.memory_space<vmem>>) target(%dma_start3A_53 : memref<10000x128xf32, #tpu.memory_space<vmem_shared>>) offsets(%dma_start3A_50 : memref<80xi32, #tpu.memory_space<vmem>>) semaphore(%run_scoped3A_47 : memref<!tpu.dma_semaphore, #tpu.memory_space<semaphore_mem>>) {add = true}
        %dma_wait3A_54 = arith.constant 0 : i32
        %dma_wait3A_55 = tpu.memref_slice %arg8[%add3A_46, %dma_wait3A_54] : memref<125x80xi32, #tpu.memory_space<vmem>> -> memref<1x80xi32, #tpu.memory_space<vmem>>
        %dma_wait3A_56 = tpu.memref_squeeze %dma_wait3A_55 : memref<1x80xi32, #tpu.memory_space<vmem>> -> memref<80xi32, #tpu.memory_space<vmem>>
        %dma_wait3A_57 = arith.constant 0 : i32
        %dma_wait3A_58 = arith.constant 0 : i32
        %dma_wait3A_59 = tpu.memref_slice %arg11[%dma_wait3A_57, %dma_wait3A_58] : memref<10000x128xf32, #tpu.memory_space<vmem_shared>> -> memref<10000x128xf32, #tpu.memory_space<vmem_shared>>
        tpu.wait_indirect_dma semaphore(%run_scoped3A_47 : memref<!tpu.dma_semaphore, #tpu.memory_space<semaphore_mem>>) src(%arg10 : memref<80x128xf32, #tpu.memory_space<vmem>>) dst(%dma_wait3A_59 : memref<10000x128xf32, #tpu.memory_space<vmem_shared>>)
        tpu.yield
      }) : () -> ()
    }
    %scan3A_9 = arith.constant 62 : i32
    %dma_wait3A = arith.constant 0 : i32
    %dma_wait3A_10 = tpu.memref_slice %arg7[%dma_wait3A] : memref<10000xi32, #tpu.memory_space<vmem>> -> memref<80xi32, #tpu.memory_space<vmem>>
    %dma_wait3A_11 = arith.constant 0 : i32
    %dma_wait3A_12 = arith.constant 0 : i32
    %dma_wait3A_13 = tpu.memref_slice %arg2[%dma_wait3A_11, %dma_wait3A_12] : memref<20000x128xf32, #tpu.memory_space<hbm>> -> memref<20000x128xf32, #tpu.memory_space<hbm>>
    tpu.wait_indirect_dma semaphore(%arg12 : memref<!tpu.dma_semaphore, #tpu.memory_space<semaphore_mem>>) src(%dma_wait3A_13 : memref<20000x128xf32, #tpu.memory_space<hbm>>) dst(%arg9 : memref<80x128xf32, #tpu.memory_space<vmem>>)
    %run_scoped3A = arith.constant 124 : i32
    "tpu.region"() ({
      %run_scoped3A_17 = tpu.sem_alloc : memref<!tpu.dma_semaphore, #tpu.memory_space<semaphore_mem>>
      %dma_start3A_18 = arith.constant 0 : i32
      %dma_start3A_19 = tpu.memref_slice %arg8[%run_scoped3A, %dma_start3A_18] : memref<125x80xi32, #tpu.memory_space<vmem>> -> memref<1x80xi32, #tpu.memory_space<vmem>>
      %dma_start3A_20 = tpu.memref_squeeze %dma_start3A_19 : memref<1x80xi32, #tpu.memory_space<vmem>> -> memref<80xi32, #tpu.memory_space<vmem>>
      %dma_start3A_21 = arith.constant 0 : i32
      %dma_start3A_22 = arith.constant 0 : i32
      %dma_start3A_23 = tpu.memref_slice %arg11[%dma_start3A_21, %dma_start3A_22] : memref<10000x128xf32, #tpu.memory_space<vmem_shared>> -> memref<10000x128xf32, #tpu.memory_space<vmem_shared>>
      tpu.enqueue_indirect_dma source(%arg9 : memref<80x128xf32, #tpu.memory_space<vmem>>) target(%dma_start3A_23 : memref<10000x128xf32, #tpu.memory_space<vmem_shared>>) offsets(%dma_start3A_20 : memref<80xi32, #tpu.memory_space<vmem>>) semaphore(%run_scoped3A_17 : memref<!tpu.dma_semaphore, #tpu.memory_space<semaphore_mem>>) {add = true}
      %dma_wait3A_24 = arith.constant 0 : i32
      %dma_wait3A_25 = tpu.memref_slice %arg8[%run_scoped3A, %dma_wait3A_24] : memref<125x80xi32, #tpu.memory_space<vmem>> -> memref<1x80xi32, #tpu.memory_space<vmem>>
      %dma_wait3A_26 = tpu.memref_squeeze %dma_wait3A_25 : memref<1x80xi32, #tpu.memory_space<vmem>> -> memref<80xi32, #tpu.memory_space<vmem>>
      %dma_wait3A_27 = arith.constant 0 : i32
      %dma_wait3A_28 = arith.constant 0 : i32
      %dma_wait3A_29 = tpu.memref_slice %arg11[%dma_wait3A_27, %dma_wait3A_28] : memref<10000x128xf32, #tpu.memory_space<vmem_shared>> -> memref<10000x128xf32, #tpu.memory_space<vmem_shared>>
      tpu.wait_indirect_dma semaphore(%run_scoped3A_17 : memref<!tpu.dma_semaphore, #tpu.memory_space<semaphore_mem>>) src(%arg9 : memref<80x128xf32, #tpu.memory_space<vmem>>) dst(%dma_wait3A_29 : memref<10000x128xf32, #tpu.memory_space<vmem_shared>>)
      tpu.yield
    }) : () -> ()
    %barrier3A_14 = arith.constant 0 : index
    tpu.barrier barrier_id(%barrier3A_14)
    %mul3A_15 = arith.constant 625 : i32
    %mul3A_16 = arith.muli %arg1, %mul3A_15 : i32
    "tpu.region"() ({
      %run_scoped3A_17 = tpu.sem_alloc : memref<!tpu.dma_semaphore, #tpu.memory_space<semaphore_mem>>
      %dma_start3A_18 = arith.constant 0 : i32
      %dma_start3A_19 = arith.constant 0 : i32
      %dma_start3A_20 = tpu.memref_slice %arg6[%arg0, %arg1, %dma_start3A_18, %dma_start3A_19] : memref<2x16x625x128xf32, #tpu.memory_space<hbm>> -> memref<1x1x625x128xf32, #tpu.memory_space<hbm>>
      %dma_start3A_21 = tpu.memref_squeeze %dma_start3A_20 : memref<1x1x625x128xf32, #tpu.memory_space<hbm>> -> memref<625x128xf32, #tpu.memory_space<hbm>>
      %dma_start3A_22 = arith.constant 0 : i32
      %dma_start3A_23 = tpu.memref_slice %arg11[%mul3A_16, %dma_start3A_22] : memref<10000x128xf32, #tpu.memory_space<vmem_shared>> -> memref<625x128xf32, #tpu.memory_space<vmem_shared>>
      tpu.enqueue_dma source(%dma_start3A_23 : memref<625x128xf32, #tpu.memory_space<vmem_shared>>) target(%dma_start3A_21 : memref<625x128xf32, #tpu.memory_space<hbm>>) target_semaphore(%run_scoped3A_17 : memref<!tpu.dma_semaphore, #tpu.memory_space<semaphore_mem>>)
      %dma_wait3A_24 = arith.constant 0 : i32
      %dma_wait3A_25 = arith.constant 0 : i32
      %dma_wait3A_26 = tpu.memref_slice %arg6[%arg0, %arg1, %dma_wait3A_24, %dma_wait3A_25] : memref<2x16x625x128xf32, #tpu.memory_space<hbm>> -> memref<1x1x625x128xf32, #tpu.memory_space<hbm>>
      %dma_wait3A_27 = tpu.memref_squeeze %dma_wait3A_26 : memref<1x1x625x128xf32, #tpu.memory_space<hbm>> -> memref<625x128xf32, #tpu.memory_space<hbm>>
      %dma_wait3A_28 = arith.constant 0 : i32
      %dma_wait3A_29 = tpu.memref_slice %arg11[%mul3A_16, %dma_wait3A_28] : memref<10000x128xf32, #tpu.memory_space<vmem_shared>> -> memref<625x128xf32, #tpu.memory_space<vmem_shared>>
      tpu.wait_dma2 semaphore(%run_scoped3A_17 : memref<!tpu.dma_semaphore, #tpu.memory_space<semaphore_mem>>) src(%dma_wait3A_29 : memref<625x128xf32, #tpu.memory_space<vmem_shared>>) dst(%dma_wait3A_27 : memref<625x128xf32, #tpu.memory_space<hbm>>)
      tpu.yield
    }) : () -> ()
    return
  }
}

module attributes {stable_mosaic.version = 14 : i64} {
  func.func @_tc_a1_body(%arg0: i32, %arg1: memref<1000x256xf32, #tpu.memory_space<vmem>>, %arg2: memref<256x256xf32, #tpu.memory_space<vmem>>, %arg3: memref<1000x256xf32, #tpu.memory_space<vmem>>) attributes {dimension_semantics = [#tpu.dimension_semantics<arbitrary>], iteration_bounds = array<i64: 10>, scalar_prefetch = 0 : i64, scratch_operands = 0 : i64, tpu.core_type = #tpu.core_type<tc>, window_params = [{transform_indices = @transform_0, window_bounds = array<i64: 1000, 256>}, {pipeline_mode = #tpu.pipeline_mode<synchronous>, transform_indices = @transform_1, window_bounds = array<i64: 256, 256>}, {transform_indices = @transform_2, window_bounds = array<i64: 1000, 256>}]} {
    %get3A = arith.constant 0 : index
    %get3A_0 = arith.constant 0 : index
    %get3A_1 = vector.load %arg1[%get3A, %get3A_0] : memref<1000x256xf32, #tpu.memory_space<vmem>>, vector<1000x256xf32>
    %get3A_2 = arith.constant 0 : index
    %get3A_3 = arith.constant 0 : index
    %get3A_4 = vector.load %arg2[%get3A_2, %get3A_3] : memref<256x256xf32, #tpu.memory_space<vmem>>, vector<256x256xf32>
    %dot_general3A = arith.constant dense<0.000000e+00> : vector<1000x256xf32>
    %dot_general3A_5 = tpu.matmul %get3A_1, %get3A_4, %dot_general3A {dimension_numbers = #tpu.dot_dimension_numbers<[1], [0], [0], [1], [0, 0, 1, 1], [], []>, precision = #tpu.contract_precision<fp32>, transpose_lhs_hint = false} : vector<1000x256xf32>, vector<256x256xf32>, vector<1000x256xf32> -> vector<1000x256xf32>
    %swap3A = arith.constant 0 : index
    %swap3A_6 = arith.constant 0 : index
    %swap3A_7 = vector.load %arg3[%swap3A, %swap3A_6] : memref<1000x256xf32, #tpu.memory_space<vmem>>, vector<1000x256xf32>
    tpu.vector_store %arg3[%swap3A, %swap3A_6], %dot_general3A_5 {strides = array<i32>} : memref<1000x256xf32, #tpu.memory_space<vmem>>, vector<1000x256xf32>,
    return
  }
  func.func @transform_0(%arg0: i32) -> (i32, i32) {
    %c0_i32 = arith.constant 0 : i32
    %c0_i32_0 = arith.constant 0 : i32
    return %arg0, %c0_i32 : i32, i32
  }
  func.func @transform_1(%arg0: i32) -> (i32, i32) {
    %c0_i32 = arith.constant 0 : i32
    %c0_i32_0 = arith.constant 0 : i32
    %c0_i32_1 = arith.constant 0 : i32
    return %c0_i32, %c0_i32_0 : i32, i32
  }
  func.func @transform_2(%arg0: i32) -> (i32, i32) {
    %c0_i32 = arith.constant 0 : i32
    %c0_i32_0 = arith.constant 0 : i32
    return %arg0, %c0_i32 : i32, i32
  }
}

module attributes {stable_mosaic.version = 14 : i64} {
  func.func @_tc_a2_body(%arg0: i32, %arg1: memref<1000x256xf32, #tpu.memory_space<vmem>>, %arg2: memref<2x1000x128xf32, #tpu.memory_space<vmem>>, %arg3: memref<2x1000x128xf32, #tpu.memory_space<vmem>>, %arg4: memref<1000x8xf32, #tpu.memory_space<vmem>>) attributes {dimension_semantics = [#tpu.dimension_semantics<arbitrary>], iteration_bounds = array<i64: 10>, scalar_prefetch = 0 : i64, scratch_operands = 0 : i64, tpu.core_type = #tpu.core_type<tc>, window_params = [{transform_indices = @transform_0, window_bounds = array<i64: 1000, 256>}, {transform_indices = @transform_1, window_bounds = array<i64: 2, 1000, 128>}, {transform_indices = @transform_2, window_bounds = array<i64: 2, 1000, 128>}, {transform_indices = @transform_3, window_bounds = array<i64: 1000, 8>}]} {
    %get3A = arith.constant 0 : index
    %get3A_0 = arith.constant 0 : index
    %get3A_1 = arith.constant 0 : index
    %get3A_2 = vector.load %arg2[%get3A, %get3A_0, %get3A_1] : memref<2x1000x128xf32, #tpu.memory_space<vmem>>, vector<2x1000x128xf32>
    %slice3A = vector.extract_strided_slice %get3A_2 {offsets = [0, 0, 0], sizes = [1, 1000, 1], strides = [1, 1, 1]} : vector<2x1000x128xf32> to vector<1x1000x1xf32>
    %squeeze3A = vector.shape_cast %slice3A : vector<1x1000x1xf32> to vector<1000xf32>
    %add3A = arith.constant 1.000000e+00 : f32
    %add3A_3 = vector.broadcast %add3A : f32 to vector<1000xf32>
    %add3A_4 = arith.addf %add3A_3, %squeeze3A : vector<1000xf32>
    %slice3A_5 = vector.extract_strided_slice %get3A_2 {offsets = [1, 0, 0], sizes = [1, 1000, 1], strides = [1, 1, 1]} : vector<2x1000x128xf32> to vector<1x1000x1xf32>
    %squeeze3A_6 = vector.shape_cast %slice3A_5 : vector<1x1000x1xf32> to vector<1000xf32>
    %add3A_7 = arith.addf %add3A_4, %squeeze3A_6 : vector<1000xf32>
    %rsqrt3A = math.rsqrt %add3A_7 : vector<1000xf32>
    %get3A_8 = arith.constant 0 : index
    %get3A_9 = arith.constant 0 : index
    %get3A_10 = vector.load %arg1[%get3A_8, %get3A_9] : memref<1000x256xf32, #tpu.memory_space<vmem>>, vector<1000x256xf32>
    %broadcast_in_dim3A = vector.shape_cast %rsqrt3A : vector<1000xf32> to vector<1000x1xf32>
    %mul3A = vector.broadcast %broadcast_in_dim3A : vector<1000x1xf32> to vector<1000x256xf32>
    %mul3A_11 = arith.mulf %get3A_10, %mul3A : vector<1000x256xf32>
    %slice3A_12 = vector.extract_strided_slice %mul3A_11 {offsets = [0, 0], sizes = [1000, 128], strides = [1, 1]} : vector<1000x256xf32> to vector<1000x128xf32>
    %swap3A = arith.constant 0 : index
    %swap3A_13 = arith.constant 0 : index
    %swap3A_14 = arith.constant 0 : index
    %swap3A_15 = vector.load %arg3[%swap3A, %swap3A_13, %swap3A_14] : memref<2x1000x128xf32, #tpu.memory_space<vmem>>, vector<1x1000x128xf32>
    %swap3A_16 = vector.shape_cast %swap3A_15 : vector<1x1000x128xf32> to vector<1000x128xf32>
    %swap3A_17 = vector.shape_cast %slice3A_12 : vector<1000x128xf32> to vector<1x1000x128xf32>
    tpu.vector_store %arg3[%swap3A, %swap3A_13, %swap3A_14], %swap3A_17 {strides = array<i32>} : memref<2x1000x128xf32, #tpu.memory_space<vmem>>, vector<1x1000x128xf32>,
    %slice3A_18 = vector.extract_strided_slice %mul3A_11 {offsets = [0, 128], sizes = [1000, 128], strides = [1, 1]} : vector<1000x256xf32> to vector<1000x128xf32>
    %swap3A_19 = arith.constant 1 : index
    %swap3A_20 = arith.constant 0 : index
    %swap3A_21 = arith.constant 0 : index
    %swap3A_22 = vector.load %arg3[%swap3A_19, %swap3A_20, %swap3A_21] : memref<2x1000x128xf32, #tpu.memory_space<vmem>>, vector<1x1000x128xf32>
    %swap3A_23 = vector.shape_cast %swap3A_22 : vector<1x1000x128xf32> to vector<1000x128xf32>
    %swap3A_24 = vector.shape_cast %slice3A_18 : vector<1000x128xf32> to vector<1x1000x128xf32>
    tpu.vector_store %arg3[%swap3A_19, %swap3A_20, %swap3A_21], %swap3A_24 {strides = array<i32>} : memref<2x1000x128xf32, #tpu.memory_space<vmem>>, vector<1x1000x128xf32>,
    %broadcast_in_dim3A_25 = vector.shape_cast %rsqrt3A : vector<1000xf32> to vector<1000x1xf32>
    %broadcast_in_dim3A_26 = vector.shape_cast %broadcast_in_dim3A_25 : vector<1000x1xf32> to vector<1000x1xf32>
    %broadcast_in_dim3A_27 = vector.broadcast %broadcast_in_dim3A_26 : vector<1000x1xf32> to vector<1000x8xf32>
    %swap3A_28 = arith.constant 0 : index
    %swap3A_29 = arith.constant 0 : index
    %swap3A_30 = vector.load %arg4[%swap3A_28, %swap3A_29] : memref<1000x8xf32, #tpu.memory_space<vmem>>, vector<1000x8xf32>
    tpu.vector_store %arg4[%swap3A_28, %swap3A_29], %broadcast_in_dim3A_27 {strides = array<i32>} : memref<1000x8xf32, #tpu.memory_space<vmem>>, vector<1000x8xf32>,
    return
  }
  func.func @transform_0(%arg0: i32) -> (i32, i32) {
    %c0_i32 = arith.constant 0 : i32
    %c0_i32_0 = arith.constant 0 : i32
    return %arg0, %c0_i32 : i32, i32
  }
  func.func @transform_1(%arg0: i32) -> (i32, i32, i32) {
    %c0_i32 = arith.constant 0 : i32
    %c0_i32_0 = arith.constant 0 : i32
    %c0_i32_1 = arith.constant 0 : i32
    return %c0_i32, %arg0, %c0_i32_0 : i32, i32, i32
  }
  func.func @transform_2(%arg0: i32) -> (i32, i32, i32) {
    %c0_i32 = arith.constant 0 : i32
    %c0_i32_0 = arith.constant 0 : i32
    %c0_i32_1 = arith.constant 0 : i32
    return %c0_i32, %arg0, %c0_i32_0 : i32, i32, i32
  }
  func.func @transform_3(%arg0: i32) -> (i32, i32) {
    %c0_i32 = arith.constant 0 : i32
    %c0_i32_0 = arith.constant 0 : i32
    return %arg0, %c0_i32 : i32, i32
  }
}

module attributes {stable_mosaic.version = 14 : i64} {
  func.func @_tc_b_body(%arg0: i32, %arg1: memref<2x1000x128xf32, #tpu.memory_space<vmem>>, %arg2: memref<2x1000x128xf32, #tpu.memory_space<vmem>>, %arg3: memref<1000x8xf32, #tpu.memory_space<vmem>>, %arg4: memref<1x256xf32, #tpu.memory_space<vmem>>, %arg5: memref<256x128xf32, #tpu.memory_space<vmem>>, %arg6: memref<1000x128xf32, #tpu.memory_space<vmem>>) attributes {dimension_semantics = [#tpu.dimension_semantics<arbitrary>], iteration_bounds = array<i64: 10>, scalar_prefetch = 0 : i64, scratch_operands = 0 : i64, tpu.core_type = #tpu.core_type<tc>, window_params = [{transform_indices = @transform_0, window_bounds = array<i64: 2, 1000, 128>}, {transform_indices = @transform_1, window_bounds = array<i64: 2, 1000, 128>}, {transform_indices = @transform_2, window_bounds = array<i64: 1000, 8>}, {pipeline_mode = #tpu.pipeline_mode<synchronous>, transform_indices = @transform_3, window_bounds = array<i64: 1, 256>}, {pipeline_mode = #tpu.pipeline_mode<synchronous>, transform_indices = @transform_4, window_bounds = array<i64: 256, 128>}, {transform_indices = @transform_5, window_bounds = array<i64: 1000, 128>}]} {
    %get3A = arith.constant 0 : index
    %get3A_0 = arith.constant 0 : index
    %get3A_1 = vector.load %arg3[%get3A, %get3A_0] : memref<1000x8xf32, #tpu.memory_space<vmem>>, vector<1000x1xf32>
    %get3A_2 = vector.shape_cast %get3A_1 : vector<1000x1xf32> to vector<1000xf32>
    %get3A_3 = arith.constant 0 : index
    %get3A_4 = arith.constant 0 : index
    %get3A_5 = arith.constant 0 : index
    %get3A_6 = vector.load %arg1[%get3A_3, %get3A_4, %get3A_5] : memref<2x1000x128xf32, #tpu.memory_space<vmem>>, vector<1x1000x128xf32>
    %get3A_7 = vector.shape_cast %get3A_6 : vector<1x1000x128xf32> to vector<1000x128xf32>
    %get3A_8 = arith.constant 0 : index
    %get3A_9 = arith.constant 0 : index
    %get3A_10 = arith.constant 0 : index
    %get3A_11 = vector.load %arg2[%get3A_8, %get3A_9, %get3A_10] : memref<2x1000x128xf32, #tpu.memory_space<vmem>>, vector<1x1000x128xf32>
    %get3A_12 = vector.shape_cast %get3A_11 : vector<1x1000x128xf32> to vector<1000x128xf32>
    %add3A = arith.addf %get3A_7, %get3A_12 : vector<1000x128xf32>
    %get3A_13 = arith.constant 1 : index
    %get3A_14 = arith.constant 0 : index
    %get3A_15 = arith.constant 0 : index
    %get3A_16 = vector.load %arg1[%get3A_13, %get3A_14, %get3A_15] : memref<2x1000x128xf32, #tpu.memory_space<vmem>>, vector<1x1000x128xf32>
    %get3A_17 = vector.shape_cast %get3A_16 : vector<1x1000x128xf32> to vector<1000x128xf32>
    %get3A_18 = arith.constant 1 : index
    %get3A_19 = arith.constant 0 : index
    %get3A_20 = arith.constant 0 : index
    %get3A_21 = vector.load %arg2[%get3A_18, %get3A_19, %get3A_20] : memref<2x1000x128xf32, #tpu.memory_space<vmem>>, vector<1x1000x128xf32>
    %get3A_22 = vector.shape_cast %get3A_21 : vector<1x1000x128xf32> to vector<1000x128xf32>
    %add3A_23 = arith.addf %get3A_17, %get3A_22 : vector<1000x128xf32>
    %concatenate3A = tpu.concatenate %add3A, %add3A_23 in 1 : vector<1000x128xf32>, vector<1000x128xf32> -> vector<1000x256xf32>
    %broadcast_in_dim3A = vector.shape_cast %get3A_2 : vector<1000xf32> to vector<1000x1xf32>
    %mul3A = vector.broadcast %broadcast_in_dim3A : vector<1000x1xf32> to vector<1000x256xf32>
    %mul3A_24 = arith.mulf %concatenate3A, %mul3A : vector<1000x256xf32>
    %get3A_25 = arith.constant 0 : index
    %get3A_26 = arith.constant 0 : index
    %get3A_27 = vector.load %arg4[%get3A_25, %get3A_26] : memref<1x256xf32, #tpu.memory_space<vmem>>, vector<1x256xf32>
    %add3A_28 = vector.broadcast %get3A_27 : vector<1x256xf32> to vector<1000x256xf32>
    %add3A_29 = arith.addf %mul3A_24, %add3A_28 : vector<1000x256xf32>
    %max3A = arith.constant 0.000000e+00 : f32
    %max3A_30 = vector.broadcast %max3A : f32 to vector<1000x256xf32>
    %max3A_31 = arith.maximumf %add3A_29, %max3A_30 : vector<1000x256xf32>
    %get3A_32 = arith.constant 0 : index
    %get3A_33 = arith.constant 0 : index
    %get3A_34 = vector.load %arg5[%get3A_32, %get3A_33] : memref<256x128xf32, #tpu.memory_space<vmem>>, vector<256x128xf32>
    %dot_general3A = arith.constant dense<0.000000e+00> : vector<1000x128xf32>
    %dot_general3A_35 = tpu.matmul %max3A_31, %get3A_34, %dot_general3A {dimension_numbers = #tpu.dot_dimension_numbers<[1], [0], [0], [1], [0, 0, 1, 1], [], []>, precision = #tpu.contract_precision<fp32>, transpose_lhs_hint = false} : vector<1000x256xf32>, vector<256x128xf32>, vector<1000x128xf32> -> vector<1000x128xf32>
    %broadcast_in_dim3A_36 = vector.shape_cast %get3A_2 : vector<1000xf32> to vector<1000x1xf32>
    %mul3A_37 = vector.broadcast %broadcast_in_dim3A_36 : vector<1000x1xf32> to vector<1000x128xf32>
    %mul3A_38 = arith.mulf %dot_general3A_35, %mul3A_37 : vector<1000x128xf32>
    %swap3A = arith.constant 0 : index
    %swap3A_39 = arith.constant 0 : index
    %swap3A_40 = vector.load %arg6[%swap3A, %swap3A_39] : memref<1000x128xf32, #tpu.memory_space<vmem>>, vector<1000x128xf32>
    tpu.vector_store %arg6[%swap3A, %swap3A_39], %mul3A_38 {strides = array<i32>} : memref<1000x128xf32, #tpu.memory_space<vmem>>, vector<1000x128xf32>,
    return
  }
  func.func @transform_0(%arg0: i32) -> (i32, i32, i32) {
    %c0_i32 = arith.constant 0 : i32
    %c0_i32_0 = arith.constant 0 : i32
    %c0_i32_1 = arith.constant 0 : i32
    return %c0_i32, %arg0, %c0_i32_0 : i32, i32, i32
  }
  func.func @transform_1(%arg0: i32) -> (i32, i32, i32) {
    %c0_i32 = arith.constant 0 : i32
    %c0_i32_0 = arith.constant 0 : i32
    %c0_i32_1 = arith.constant 0 : i32
    return %c0_i32, %arg0, %c0_i32_0 : i32, i32, i32
  }
  func.func @transform_2(%arg0: i32) -> (i32, i32) {
    %c0_i32 = arith.constant 0 : i32
    %c0_i32_0 = arith.constant 0 : i32
    return %arg0, %c0_i32 : i32, i32
  }
  func.func @transform_3(%arg0: i32) -> (i32, i32) {
    %c0_i32 = arith.constant 0 : i32
    %c0_i32_0 = arith.constant 0 : i32
    %c0_i32_1 = arith.constant 0 : i32
    return %c0_i32, %c0_i32_0 : i32, i32
  }
  func.func @transform_4(%arg0: i32) -> (i32, i32) {
    %c0_i32 = arith.constant 0 : i32
    %c0_i32_0 = arith.constant 0 : i32
    %c0_i32_1 = arith.constant 0 : i32
    return %c0_i32, %c0_i32_0 : i32, i32
  }
  func.func @transform_5(%arg0: i32) -> (i32, i32) {
    %c0_i32 = arith.constant 0 : i32
    %c0_i32_0 = arith.constant 0 : i32
    return %arg0, %c0_i32 : i32, i32
  }
}

module attributes {stable_mosaic.version = 14 : i64} {
  func.func @_tc_c_body(%arg0: i32, %arg1: memref<2x1000x128xf32, #tpu.memory_space<vmem>>, %arg2: memref<1000x128xf32, #tpu.memory_space<vmem>>, %arg3: memref<1000x8xf32, #tpu.memory_space<vmem>>, %arg4: memref<1x128xf32, #tpu.memory_space<vmem>>, %arg5: memref<1000x128xf32, #tpu.memory_space<vmem>>) attributes {dimension_semantics = [#tpu.dimension_semantics<arbitrary>], iteration_bounds = array<i64: 10>, scalar_prefetch = 0 : i64, scratch_operands = 0 : i64, tpu.core_type = #tpu.core_type<tc>, window_params = [{transform_indices = @transform_0, window_bounds = array<i64: 2, 1000, 128>}, {transform_indices = @transform_1, window_bounds = array<i64: 1000, 128>}, {transform_indices = @transform_2, window_bounds = array<i64: 1000, 8>}, {pipeline_mode = #tpu.pipeline_mode<synchronous>, transform_indices = @transform_3, window_bounds = array<i64: 1, 128>}, {transform_indices = @transform_4, window_bounds = array<i64: 1000, 128>}]} {
    %get3A = arith.constant 0 : index
    %get3A_0 = arith.constant 0 : index
    %get3A_1 = vector.load %arg3[%get3A, %get3A_0] : memref<1000x8xf32, #tpu.memory_space<vmem>>, vector<1000x1xf32>
    %get3A_2 = vector.shape_cast %get3A_1 : vector<1000x1xf32> to vector<1000xf32>
    %get3A_3 = arith.constant 0 : index
    %get3A_4 = arith.constant 0 : index
    %get3A_5 = arith.constant 0 : index
    %get3A_6 = vector.load %arg1[%get3A_3, %get3A_4, %get3A_5] : memref<2x1000x128xf32, #tpu.memory_space<vmem>>, vector<1x1000x128xf32>
    %get3A_7 = vector.shape_cast %get3A_6 : vector<1x1000x128xf32> to vector<1000x128xf32>
    %get3A_8 = arith.constant 1 : index
    %get3A_9 = arith.constant 0 : index
    %get3A_10 = arith.constant 0 : index
    %get3A_11 = vector.load %arg1[%get3A_8, %get3A_9, %get3A_10] : memref<2x1000x128xf32, #tpu.memory_space<vmem>>, vector<1x1000x128xf32>
    %get3A_12 = vector.shape_cast %get3A_11 : vector<1x1000x128xf32> to vector<1000x128xf32>
    %add3A = arith.addf %get3A_7, %get3A_12 : vector<1000x128xf32>
    %get3A_13 = arith.constant 0 : index
    %get3A_14 = arith.constant 0 : index
    %get3A_15 = vector.load %arg2[%get3A_13, %get3A_14] : memref<1000x128xf32, #tpu.memory_space<vmem>>, vector<1000x128xf32>
    %add3A_16 = arith.addf %add3A, %get3A_15 : vector<1000x128xf32>
    %broadcast_in_dim3A = vector.shape_cast %get3A_2 : vector<1000xf32> to vector<1000x1xf32>
    %mul3A = vector.broadcast %broadcast_in_dim3A : vector<1000x1xf32> to vector<1000x128xf32>
    %mul3A_17 = arith.mulf %add3A_16, %mul3A : vector<1000x128xf32>
    %get3A_18 = arith.constant 0 : index
    %get3A_19 = arith.constant 0 : index
    %get3A_20 = vector.load %arg4[%get3A_18, %get3A_19] : memref<1x128xf32, #tpu.memory_space<vmem>>, vector<1x128xf32>
    %add3A_21 = vector.broadcast %get3A_20 : vector<1x128xf32> to vector<1000x128xf32>
    %add3A_22 = arith.addf %mul3A_17, %add3A_21 : vector<1000x128xf32>
    %max3A = arith.constant 0.000000e+00 : f32
    %max3A_23 = vector.broadcast %max3A : f32 to vector<1000x128xf32>
    %max3A_24 = arith.maximumf %add3A_22, %max3A_23 : vector<1000x128xf32>
    %swap3A = arith.constant 0 : index
    %swap3A_25 = arith.constant 0 : index
    %swap3A_26 = vector.load %arg5[%swap3A, %swap3A_25] : memref<1000x128xf32, #tpu.memory_space<vmem>>, vector<1000x128xf32>
    tpu.vector_store %arg5[%swap3A, %swap3A_25], %max3A_24 {strides = array<i32>} : memref<1000x128xf32, #tpu.memory_space<vmem>>, vector<1000x128xf32>,
    return
  }
  func.func @transform_0(%arg0: i32) -> (i32, i32, i32) {
    %c0_i32 = arith.constant 0 : i32
    %c0_i32_0 = arith.constant 0 : i32
    %c0_i32_1 = arith.constant 0 : i32
    return %c0_i32, %arg0, %c0_i32_0 : i32, i32, i32
  }
  func.func @transform_1(%arg0: i32) -> (i32, i32) {
    %c0_i32 = arith.constant 0 : i32
    %c0_i32_0 = arith.constant 0 : i32
    return %arg0, %c0_i32 : i32, i32
  }
  func.func @transform_2(%arg0: i32) -> (i32, i32) {
    %c0_i32 = arith.constant 0 : i32
    %c0_i32_0 = arith.constant 0 : i32
    return %arg0, %c0_i32 : i32, i32
  }
  func.func @transform_3(%arg0: i32) -> (i32, i32) {
    %c0_i32 = arith.constant 0 : i32
    %c0_i32_0 = arith.constant 0 : i32
    %c0_i32_1 = arith.constant 0 : i32
    return %c0_i32, %c0_i32_0 : i32, i32
  }
  func.func @transform_4(%arg0: i32) -> (i32, i32) {
    %c0_i32 = arith.constant 0 : i32
    %c0_i32_0 = arith.constant 0 : i32
    return %arg0, %c0_i32 : i32, i32
  }
}

</mosaic_0001>

<sc_bundles>
// kernel: kernel.12.cloned.1.call-start
scs
__scs_entry_jumppad:
0x0: {  	(pc) =	sbr.rel $0x88, $3  }
0x1: {  	(tag) =	ssettag $0x0;
	lr =	simm.s32 $0x1  }
0x2: {  	[smem:$0x3F9B] =	sst lr;
	_ =	strace $0xD0000000  }
0x3: {  	_ = 	snop  }
0x4: {  	_ = 	snop  }
0x5: {  	_ = 	snop  }
0x6: {  	_ = 	snop  }
0x7: {  	_ = 	snop  }
__scs_overlays_trampoline_lowered:
0x8: {  	[smem:$0x3FAA] =	sst s0  }
0x9: {  	[smem:$0x3FAB] =	sst s1  }
0xa: {  	[smem:$0x3FAC] =	sst s2  }
0xb: {  	[smem:$0x3FAD] =	sst s3  }
0xc: {  	[smem:$0x3FAE] =	sst s4  }
0xd: {  	[smem:$0x3FAF] =	sst s5  }
0xe: {  	[smem:$0x3FB0] =	sst s6  }
0xf: {  	[smem:$0x3FB1] =	sst s7  }
0x10: {  	[smem:$0x3FB2] =	sst s8  }
0x11: {  	[smem:$0x3FB3] =	sst s9;
	s0 =	simm.s32 @!p0 $0x0  }
0x12: {  	s1 =	sld [smem:$0x3F99];
	s0 =	simm.s32 @p0 $0x1  }
0x13: {  	[smem:$0x3FB4] =	sst s0;
	s0 =	simm.s32 @!p1 $0x0  }
0x14: {  	s2 =	sld [smem:$0x3F98];
	s0 =	simm.s32 @p1 $0x1  }
0x15: {  	[smem:$0x3FB5] =	sst s0;
	s0 =	simm.s32 @!p2 $0x0  }
0x16: {  	s3 =	sld [smem:$0x3FDB];
	s0 =	simm.s32 @p2 $0x1  }
0x17: {  	s4 =	simm.s32 $0x1BF5;
	[smem:$0x3FB7] =	sst s0  }
0x18: {  	s0 =	sld [smem:$0x3F9A];
	_ =	swait.ge [sflag:s4], $0x0  }
0x19: {  	s7 =	sld [smem:$0x3F9B]  }
0x1a: {  	s8 =	sadd.s32 $0xFFFFE003, lr  }
0x1b: {  	s9 =	sadd.s32 $0xFFFFFEF7, lr;
	s5 =	simm.s32 $0xFFFFFFFF;
	p2 =	slt.u32 s8, $0xFFFFF086  }
0x1c: {  	p1 =	slt.u32 s9, $0xF7A;
	s5 =	simm.s32 @!p2 $0x0  }
0x1d: {  	s5 =	simm.s32 @p1 $0x1;
	p0 =	seq.s32 s7, s2  }
0x1e: {  	s7 =	smul.u32 @!p0 $0xF7A, s2;
	p2 =	seq.s32 @!p0 s5, $0x0  }
0x1f: {  	s9 =	smul.u32 $0xF7A, s1;
	s8 =	simm.s32 @!p0 $0x1BF5;
	p2 =	por !p2, p0  }
0x20: {  	[sflag:s8] =	ssyncset.s32 @!p0 $0xFFFFF086;
	s6 =	sadd.s32 @!p0 s3, s7;
	s7 =	simm.s32 @!p0 $0x108  }
0x21: {  	s3 =	sadd.s32 s3, s9;
	s6 =	sadd.s32 @!p0 $0x88, s6;
	s7 =	simm.s32 @p2 $0x1082  }
0x22: {  	[simem:s7], [sflag:s8] =	dma.local @!p0 [hbm:s6], $0xF7A  }
0x23: {  	s9 =	sor.u32 $0xD0000000, s2;
	s6 =	simm.s32 $0x108;
	_ =	swait.ge @!p0 [sflag:s8], $0x0  }
0x24: {  	s3 =	sadd.s32 $0x88, s3;
	s6 =	simm.s32 @!p1 $0x1082;
	[sflag:s4] =	ssyncset.s32 $0xFFFFF086  }
0x25: {  	[simem:s6], [sflag:s4] =	dma.local [hbm:s3], $0xF7A  }
0x26: {  	[smem:$0x3F9B] =	sst s1;
	(tag) =	ssettag s2;
	_ =	strace s9  }
0x27: {  	s1 =	sld [smem:$0x3FAB]  }
0x28: {  	s2 =	sld [smem:$0x3FAC]  }
0x29: {  	s4 =	sld [smem:$0x3FAE]  }
0x2a: {  	p0 =	seq.s32 s5, $0x0;
	s5 =	sld [smem:$0x3FAF]  }
0x2b: {  	s6 =	sld [smem:$0x3FB0]  }
0x2c: {  	s7 =	sld [smem:$0x3FB1]  }
0x2d: {  	s3 =	simm.s32 $0x108;
	s8 =	sld [smem:$0x3FB2]  }
0x2e: {  	s3 =	simm.s32 @!p0 $0x1082;
	s9 =	sld [smem:$0x3FB3]  }
0x2f: {  	lr =	sadd.s32 s0, s3;
	s0 =	sld [smem:$0x3FAA]  }
0x30: {  	s3 =	sld [smem:$0x3FAD]  }
0x31: {  	[smem:$0x3FB6] =	sst s10  }
0x32: {  	s10 =	sld [smem:$0x3FB4];
	_ =	sdelay $0x3  }
0x33: {  	p0 =	seq.s32 s10, $0x1;
	s10 =	sld [smem:$0x3FB6];
	_ =	sdelay $0x3  }
0x34: {  	[smem:$0x3FB6] =	sst s10  }
0x35: {  	s10 =	sld [smem:$0x3FB5];
	_ =	sdelay $0x3  }
0x36: {  	p1 =	seq.s32 s10, $0x1;
	s10 =	sld [smem:$0x3FB6];
	_ =	sdelay $0x3  }
0x37: {  	[smem:$0x3FB6] =	sst s10  }
0x38: {  	s10 =	sld [smem:$0x3FB7]  }
0x39: {  	_ = 	snop;
	(pc) =	sbr.ind lr, $3  }
0x3a: {  	_ = 	snop  }
0x3b: {  	_ = 	snop  }
0x3c: {  	p2 =	seq.s32 s10, $0x1;
	s10 =	sld [smem:$0x3FB6]  }
0x3d: {  	_ =	shalt  }
0x3e: {  	_ =	shalt  }
0x3f: {  	_ =	shalt  }
0x40: {  	_ =	shalt  }
0x41: {  	_ =	shalt  }
0x42: {  	_ =	shalt  }
0x43: {  	_ =	shalt  }
0x44: {  	_ =	shalt  }
0x45: {  	_ =	shalt  }
0x46: {  	_ =	shalt  }
0x47: {  	_ =	shalt  }
0x48: {  	_ =	shalt  }
0x49: {  	_ =	shalt  }
0x4a: {  	_ =	shalt  }
0x4b: {  	_ =	shalt  }
0x4c: {  	_ =	shalt  }
0x4d: {  	_ =	shalt  }
0x4e: {  	_ =	shalt  }
0x4f: {  	_ =	shalt  }
0x50: {  	_ =	shalt  }
0x51: {  	_ =	shalt  }
0x52: {  	_ =	shalt  }
0x53: {  	_ =	shalt  }
0x54: {  	_ =	shalt  }
0x55: {  	_ =	shalt  }
0x56: {  	_ =	shalt  }
0x57: {  	_ =	shalt  }
0x58: {  	_ =	shalt  }
0x59: {  	_ =	shalt  }
0x5a: {  	_ =	shalt  }
0x5b: {  	_ =	shalt  }
0x5c: {  	_ =	shalt  }
0x5d: {  	_ =	shalt  }
0x5e: {  	_ =	shalt  }
0x5f: {  	_ =	shalt  }
0x60: {  	_ =	shalt  }
0x61: {  	_ =	shalt  }
0x62: {  	_ =	shalt  }
0x63: {  	_ =	shalt  }
0x64: {  	_ =	shalt  }
0x65: {  	_ =	shalt  }
0x66: {  	_ =	shalt  }
0x67: {  	_ =	shalt  }
0x68: {  	_ =	shalt  }
0x69: {  	_ =	shalt  }
0x6a: {  	_ =	shalt  }
0x6b: {  	_ =	shalt  }
0x6c: {  	_ =	shalt  }
0x6d: {  	_ =	shalt  }
0x6e: {  	_ =	shalt  }
0x6f: {  	_ =	shalt  }
0x70: {  	_ =	shalt  }
0x71: {  	_ =	shalt  }
0x72: {  	_ =	shalt  }
0x73: {  	_ =	shalt  }
0x74: {  	_ =	shalt  }
0x75: {  	_ =	shalt  }
0x76: {  	_ =	shalt  }
0x77: {  	_ =	shalt  }
0x78: {  	_ =	shalt  }
0x79: {  	_ =	shalt  }
0x7a: {  	_ =	shalt  }
0x7b: {  	_ =	shalt  }
0x7c: {  	_ =	shalt  }
0x7d: {  	_ =	shalt  }
0x7e: {  	_ =	shalt  }
0x7f: {  	_ =	shalt  }
0x80: {  	_ =	shalt  }
0x81: {  	_ =	shalt  }
0x82: {  	_ =	shalt  }
0x83: {  	_ =	shalt  }
0x84: {  	_ =	shalt  }
0x85: {  	_ =	shalt  }
0x86: {  	_ =	shalt  }
0x87: {  	_ =	shalt  }
.Lfunc_end0:
.L_simem_size_0:
called_computation.1_lowered:
.L_overlay_start_0:
0x88: {  	s2 =	sld [smem:$0x3FD9]  }
0x89: {  	s3 =	sld [smem:$0x3FFE];
	_ =	sdelay $0x1  }
0x8a: {  	s1 =	srdreg.scid  }
0x8b: {  	s0 =	sand.u32 $0x1, s1  }
0x8c: {  	s17 =	sshll.u32 s0, $0xA;
	s2 =	sadd.s32 s3, s2  }
0x8d: {  	s2 =	sadd.s32 s2, s17  }
0x8e: {  	[smem:$0x3FC2] =	sst s2  }
0x8f: {  	_ = 	snop  }
0x90: {  	s2 =	sld [smem:$0x3FD0];
	(tm) =	ssettm $0x1  }
0x91: {  	s18 =	sld [smem:$0x3FFB];
	_ =	sdelay $0x3  }
0x92: {  	_ =	strace s18  }
0x93: {  	s3 =	sld [smem:$0x3FFC];
	_ =	sdelay $0x3  }
0x94: {  	_ =	strace s3  }
0x95: {  	s3 =	sld [smem:$0x3FFD];
	_ =	sdelay $0x3  }
0x96: {  	_ =	strace s3  }
0x97: {  	_ =	strace $0x8FFFFFFF  }
0x98: {  	s19 =	sld [smem:$0x3FDB];
	_ =	sdelay $0x1  }
0x99: {  	s4 =	simm.s32 $_scs_section_size  }
0x9a: {  	s5 =	simm.s32 $_size__tile_overlayer_lowered;
	s6 =	simm.s32 $_tile_overlayer_lowered  }
0x9b: {  	s22 =	simm.s32 $0x1BFF;
	s21 =	sshll.u32 s6, $0x1;
	s3 =	sadd.s32 s4, s19  }
0x9c: {  	s7 =	simm.s32 $0x0;
	s20 =	sshll.u32 s5, $0x1;
	s5 =	sadd.s32 s21, s3  }
0x9d: {  	[timem:s7], [sflag:s22] =	dma.local [hbm:s5], s20  }
0x9e: {  	_ =	swait.ge [sflag:s22], s20  }
0x9f: {  	s4 =	ssub.s32 $0x0, s20;
	[sflag:s22] =	ssyncset.done $0x0  }
0xa0: {  	[sflag:s22] =	ssyncadd.s32 s4;
	_ =	sdelay $0x1  }
0xa1: {  	s23 =	simm.s32 $0x1B8B  }
0xa2: {  	_ =	swait.ge [sflag:s23], $0x1  }
0xa3: {  	[sflag:s23] =	ssyncset.done $0x0  }
0xa4: {  	s25 =	simm.s32 $0x1B8E;
	s24 =	sld [smem:$0x3FFE];
	[sflag:s23] =	ssyncadd.s32 $0xFFFFFFFF  }
0xa5: {  	s26 =	simm.s32 $execute0_lowered;
	[smem:$0x3FD2] =	sst s25  }
0xa6: {  	s5 =	sshll.u32 s26, $0x1;
	_ =	strace $0x80000049;
	[dreg:$0x1] =	wrdreg $0xFFFFFFFF  }
0xa7: {  	s28 =	simm.s32 $_size_execute0_lowered;
	s3 =	sadd.s32 s3, s5;
	[dreg:$0x0] =	wrdreg $0x0  }
0xa8: {  	s5 =	sshll.u32 s28, $0x1;
	[dreg:$0x2] =	wrdreg s3  }
0xa9: {  	[dreg:$0x3] =	wrdreg s5  }
0xaa: {  	[dreg:$0x4] =	wrdreg $0xC0  }
0xab: {  	_ =	task [dreg:s7], $0x5FFFF  }
0xac: {  	[dreg:$0x1] =	wrdreg $0xFFFFFFFF  }
0xad: {  	[dreg:$0x0] =	wrdreg $0x60  }
0xae: {  	[dreg:$0x2] =	wrdreg s24  }
0xaf: {  	[dreg:$0x3] =	wrdreg s2  }
0xb0: {  	[dreg:$0x4] =	wrdreg $0xB7800  }
0xb1: {  	[dreg:$0x5] =	wrdreg $0x9  }
0xb2: {  	_ =	task.clear_ibuf [dreg:s7], $0x6FFFF;
	_ =	strace $0x90000049  }
0xb3: {  	s29 =	simm.s32 $0x9;
	_ =	strace $0x8000004B  }
0xb4: {  	_ =	swait.ge [sflag:s29], $0x1  }
0xb5: {  	[sflag:s29] =	ssyncadd.s32 $0xFFFFFFFF  }
0xb6: {  	_ =	strace $0x9000004B  }
0xb7: {  	_ =	sfence  }
0xb8: {  	s30 =	sld [smem:$0x0];
	_ =	sdelay $0x2  }
0xb9: {  	s31 =	sshll.u32 s1, $0xD;
	s1 =	sshrl.u32 s1, $0x2  }
0xba: {  	s3 =	sand.u32 $0x4000, s31;
	s1 =	sadd.s32 s1, s30  }
0xbb: {  	s0 =	sor.u32 s3, s0;
	s1 =	sshll.u32 s1, $0x11  }
0xbc: {  	s0 =	sor.u32 s1, s0  }
0xbd: {  	s0 =	sadd.s32 $0x8F2B, s0  }
0xbe: {  	[sflag:s0] =	ssyncadd.remote.s32 $0x1  }
0xbf: {  	_ =	sfence.sel $0xFFFF  }
0xc0: {  	[dreg:$0x0] =	wrdreg $0xFFFFFFFF;
	(pc) =	sbr.abs _section_cstart, $3  }
0xc1: {  	[dreg:$0x1] =	wrdreg $0xFFFFFFFF  }
0xc2: {  	_ =	task.clear_ibuf [dreg:s7], $0x2FFFF;
	_ =	strace $0x9FFFFFFF  }
0xc3: {  	(tm) =	ssettm $0x7FFFFFFF  }
tec
execute0_lowered:
.L_overlay_start_1:
0x0: {  	(tag) =	ssettag $0x1  }
0x1: {  	s6 =	rddreg [dreg:$0x0]  }
0x2: {  	s7 =	rddreg [dreg:$0x1]  }
0x3: {  	s1 =	rddreg [dreg:$0x2]  }
0x4: {  	s0 =	rddreg [dreg:$0x3];
	s3 =	simm.s32 $0x0;
	s4 =	srdreg.scid  }
0x5: {  	s2 =	stileid.u32;
	s16 =	simm.s32 $0x50;
	s17 =	simm.s32 $0x6780  }
0x6: {  	s18 =	simm.s32 $0x8F80;
	s19 =	simm.s32 $0x1;
	s20 =	simm.s32 $0x2  }
0x7: {  	s21 =	simm.s32 $0x6580;
	s22 =	simm.s32 $0x0;
	[smem:$0x7FF] =	sst s3  }
0x8: {  	s8 =	sand.u32 $0x1, s4;
	s5 =	sshll.u32 s2, $0xB;
	s11 =	smul.u32 $0x13C00, s2  }
0x9: {  	s4 =	sadd.s32 $0x14400, s6;
	s13 =	sshrl.u32 s2, $0x3;
	s15 =	smul.u32 $0x4E200, s2  }
0xa: {  	s14 =	sshll.u32 s2, $0x7;
	s30 =	sshll.u32 s2, $0x6;
	s9 =	smul.u32 $0x13C000, s8  }
0xb: {  	_ =	strace $0x8000004A;
	s10 =	sadd.s32 s5, s6;
	s12 =	smul.u32 $0x27800, s8  }
0xc: {  	s5 =	sadd.s32 $0x11C00, s6;
	s8 =	ssub.s32 $0x2, s8;
	s24 =	smul.u32 $0x13C00, s13  }
0xd: {  	s26 =	sand.u32 $0x380, s14;
	s14 =	simm.s32 $0x400;
	s25 =	sshrl.u32 s8, $0x1  }
0xe: {  	s29 =	sshrl.u32 s15, $0x2;
	s15 =	simm.s32 $0x2780;
	s9 =	sadd.s32 s11, s9  }
0xf: {  	s11 =	sadd.s32 s12, s24;
	s13 =	ssub.s32 s8, s25;
	s31 =	sadd.s32 s29, s1  }
0x10: {  	s8 =	sadd.s32 $0x63800, s10;
	s9 =	sshrl.u32 s9, $0x3;
	s28 =	sor.u32 s26, s11  }
0x11: {  	s10 =	smax.u32 s13, $0x1;
	s11 =	sshrl.u32 s31, $0x3;
	s13 =	simm.s32 $0x80  }
0x12: {  	s9 =	sadd.s32 s9, s6;
	s12 =	sshrl.u32 s28, $0x3;
	s6 =	sor.u32 $0x1C03, s30  }
0x13: {  	s7 =	sadd.s32 s7, s12;
	s9 =	sadd.s32 $0x6B800, s9;
	s12 =	simm.s32 $0x3  }
.LBB2_1:
0x14: {  	[spmem:s11], [sflag:s6] =	dma.local [hbm:s5], $0x2710  }
0x15: {  	_ =	swait.ge [sflag:s12], $0x2710  }
0x16: {  	[sflag:s12] =	ssyncset.done $0x0  }
0x17: {  	[sflag:s12] =	ssyncadd.s32 $0xFFFFD8F0  }
0x18: {  	[tilespmem:s3], [sflag:$0x3] =	stream.strided.gather [hbm4b:s7+s13], $0x2780, s14, s13, $0x38;
	[tilespmem:$0x1F000] =	vst v63  }
0x19: {  	_ =	swait.ge [sflag:s12], $0x2780  }
0x1a: {  	[sflag:s12] =	ssyncset.done $0x0  }
0x1b: {  	[sflag:s12] =	ssyncadd.s32 $0xFFFFD880  }
0x1c: {  	[tilespmem:s15], [sflag:$0x3] =	stream.linear.gather [hbm4b:s8+s3], $0x3E80, $0x38;
	[tilespmem:$0x1F000] =	vst v63  }
0x1d: {  	_ =	swait.ge [sflag:s12], $0x3E80  }
0x1e: {  	[sflag:s12] =	ssyncset.done $0x0  }
0x1f: {  	[sflag:s12] =	ssyncadd.s32 $0xFFFFC180  }
0x20: {  	[bflag:$0x0] =	sbarrier.arrive $0xFFFF  }
0x21: {  	[tilespmem:s17], [sflag:$0x1] =	stream.indirect.gather [hbm4b:s4+s16], $0x80, s3, s16, $0xb8;
	[tilespmem:$0x1F000] =	vst v63  }
0x22: {  	s23 =	simm.s32 $0x50  }
0x23: {  	[tilespmem:s18], [sflag:$0x2] =	stream.indirect.gather [hbm4b:s4+s16], $0x80, s23, s16, $0xb8;
	[tilespmem:$0x1F000] =	vst v63  }
0x24: {  	_ =	swait.ge [sflag:s19], $0x2800  }
0x25: {  	[sflag:s19] =	ssyncset.done $0x0  }
0x26: {  	s29 =	simm.s32 $0x2780;
	[sflag:s19] =	ssyncadd.s32 $0xFFFFD800  }
0x27: {  	[spmem:s1] =	stream.indirect.scatter.add.f32 [tilespmem:s17], [sflag:$0x3], $0x80, s29, s16, $0xb8;
	[tilespmem:$0x1F000] =	vst v63  }
0x28: {  	_ =	swait.ge [sflag:s12], $0x2800  }
0x29: {  	[sflag:s12] =	ssyncset.done $0x0  }
0x2a: {  	s30 =	simm.s32 $0xA0;
	[sflag:s12] =	ssyncadd.s32 $0xFFFFD800  }
0x2b: {  	[tilespmem:s17], [sflag:$0x1] =	stream.indirect.gather [hbm4b:s4+s16], $0x80, s30, s16, $0xb8;
	[tilespmem:$0x1F000] =	vst v63  }
0x2c: {  	_ =	swait.ge [sflag:s20], $0x2800  }
0x2d: {  	[sflag:s20] =	ssyncset.done $0x0  }
0x2e: {  	s31 =	simm.s32 $0x2800;
	[sflag:s20] =	ssyncadd.s32 $0xFFFFD800  }
0x2f: {  	[spmem:s1] =	stream.indirect.scatter.add.f32 [tilespmem:s18], [sflag:$0x3], $0x80, s31, s16, $0xb8;
	[tilespmem:$0x1F000] =	vst v63  }
0x30: {  	s24 =	simm.s32 $0x400;
	_ =	swait.ge [sflag:s12], $0x2800  }
0x31: {  	s25 =	simm.s32 $0x800;
	s23 =	simm.s32 $0x140;
	[sflag:s12] =	ssyncset.done $0x0  }
.LBB2_2:
0x32: {  	p0 =	sne.s32 s25, $0xF400;
	s26 =	sadd.s32 $0xFFFFFFB0, s23;
	[sflag:s12] =	ssyncadd.s32 $0xFFFFD800  }
0x33: {  	[tilespmem:s18], [sflag:$0x2] =	stream.indirect.gather [hbm4b:s4+s16], $0x80, s26, s16, $0xb8;
	[tilespmem:$0x1F000] =	vst v63  }
0x34: {  	s26 =	smov.u32 s25;
	s25 =	sadd.s32 $0x400, s25;
	_ =	swait.ge [sflag:s19], $0x2800  }
0x35: {  	s28 =	sshra.s32 s24, $0x2;
	s24 =	smov.u32 s26;
	[sflag:s19] =	ssyncset.done $0x0  }
0x36: {  	s26 =	sadd.s32 $0x2780, s28;
	[sflag:s19] =	ssyncadd.s32 $0xFFFFD800  }
0x37: {  	[spmem:s1] =	stream.indirect.scatter.add.f32 [tilespmem:s17], [sflag:$0x3], $0x80, s26, s16, $0xb8;
	[tilespmem:$0x1F000] =	vst v63  }
0x38: {  	_ =	swait.ge [sflag:s12], $0x2800  }
0x39: {  	[sflag:s12] =	ssyncset.done $0x0  }
0x3a: {  	[sflag:s12] =	ssyncadd.s32 $0xFFFFD800  }
0x3b: {  	[tilespmem:s17], [sflag:$0x1] =	stream.indirect.gather [hbm4b:s4+s16], $0x80, s23, s16, $0xb8;
	[tilespmem:$0x1F000] =	vst v63  }
0x3c: {  	_ =	swait.ge [sflag:s20], $0x2800  }
.Ltmp0:
0x3d: {  	[sflag:s20] =	ssyncset.done $0x0;
	(pc) =	sbr.rel @p0 .LBB2_2-.Ltmp0, $4  }
0x3e: {  	s26 =	sadd.s32 $0x2800, s28;
	[sflag:s20] =	ssyncadd.s32 $0xFFFFD800  }
0x3f: {  	[spmem:s1] =	stream.indirect.scatter.add.f32 [tilespmem:s18], [sflag:$0x3], $0x80, s26, s16, $0xb8;
	[tilespmem:$0x1F000] =	vst v63  }
0x40: {  	_ =	swait.ge [sflag:s12], $0x2800  }
0x41: {  	s23 =	sadd.s32 $0xA0, s23;
	[sflag:s12] =	ssyncset.done $0x0  }
0x42: {  	s25 =	sadd.s32 $0xFFFFFFB0, s23;
	[sflag:s12] =	ssyncadd.s32 $0xFFFFD800  }
0x43: {  	[tilespmem:s18], [sflag:$0x2] =	stream.indirect.gather [hbm4b:s4+s16], $0x80, s25, s16, $0xb8;
	[tilespmem:$0x1F000] =	vst v63  }
0x44: {  	_ =	swait.ge [sflag:s19], $0x2800  }
0x45: {  	s24 =	sshra.s32 s24, $0x2;
	[sflag:s19] =	ssyncset.done $0x0  }
0x46: {  	s30 =	sadd.s32 $0x2780, s24;
	[sflag:s19] =	ssyncadd.s32 $0xFFFFD800  }
0x47: {  	[spmem:s1] =	stream.indirect.scatter.add.f32 [tilespmem:s17], [sflag:$0x3], $0x80, s30, s16, $0xb8;
	[tilespmem:$0x1F000] =	vst v63  }
0x48: {  	_ =	swait.ge [sflag:s12], $0x2800  }
0x49: {  	[sflag:s12] =	ssyncset.done $0x0  }
0x4a: {  	[sflag:s12] =	ssyncadd.s32 $0xFFFFD800  }
0x4b: {  	[tilespmem:s17], [sflag:$0x1] =	stream.indirect.gather [hbm4b:s4+s16], $0x80, s23, s16, $0xb8;
	[tilespmem:$0x1F000] =	vst v63  }
0x4c: {  	_ =	swait.ge [sflag:s20], $0x2800  }
0x4d: {  	[sflag:s20] =	ssyncset.done $0x0  }
0x4e: {  	s31 =	sadd.s32 $0x2800, s24;
	[sflag:s20] =	ssyncadd.s32 $0xFFFFD800  }
0x4f: {  	[spmem:s1] =	stream.indirect.scatter.add.f32 [tilespmem:s18], [sflag:$0x3], $0x80, s31, s16, $0xb8;
	[tilespmem:$0x1F000] =	vst v63  }
0x50: {  	_ =	swait.ge [sflag:s12], $0x2800  }
0x51: {  	[sflag:s12] =	ssyncset.done $0x0  }
0x52: {  	[sflag:s12] =	ssyncadd.s32 $0xFFFFD800  }
0x53: {  	_ =	swait.ge [sflag:s19], $0x2800  }
0x54: {  	[sflag:s19] =	ssyncset.done $0x0  }
0x55: {  	[sflag:s19] =	ssyncadd.s32 $0xFFFFD800  }
0x56: {  	[spmem:s1] =	stream.indirect.scatter.add.f32 [tilespmem:s17], [sflag:$0x3], $0x80, s21, s16, $0xb8;
	[tilespmem:$0x1F000] =	vst v63  }
0x57: {  	_ =	swait.ge [sflag:s12], $0x2800  }
0x58: {  	s22 =	sadd.s32 $0x1, s22;
	[sflag:s12] =	ssyncset.done $0x0  }
0x59: {  	p0 =	sne.s32 s22, s10;
	[sflag:s12] =	ssyncadd.s32 $0xFFFFD800  }
.Ltmp1:
0x5a: {  	[bflag:$0x0] =	sbarrier.arrive $0xFFFF;
	(pc) =	sbr.rel @p0 .LBB2_1-.Ltmp1, $4  }
0x5b: {  	[hbm:s9], [sflag:s6] =	dma.local [spmem:s11], $0x2710  }
0x5c: {  	_ =	swait.ge [sflag:s12], $0x2710  }
0x5d: {  	[sflag:s12] =	ssyncset.done $0x0  }
0x5e: {  	[sflag:s12] =	ssyncadd.s32 $0xFFFFD8F0  }
0x5f: {  	_ =	sfence.sel $0x180000  }
0x60: {  	[bflag:$0x0] =	sbarrier.arrive $0xFFFF  }
0x61: {  	p0 =	sne.s32 s2, $0x0;
	_ =	strace $0x9000004A  }
0x62: {  	s0 =	sadd.s32 @!p0 $0x100000, s0;
	[bflag:$0x2] =	sbarrier.arrive $0xFFFF  }
0x63: {  	[sflag:s0] =	ssyncadd.tile.s32 @!p0 $0x1;
	_ =	shalt  }
.Lfunc_end2:
_tile_overlayer_lowered:
.L_overlay_start_2:
0x64: {  	(tag) =	ssettag $0x2  }
0x65: {  	s0 =	rddreg [dreg:$0x0];
	s2 =	stileid.u32  }
0x66: {  	s1 =	rddreg [dreg:$0x1];
	p0 =	sne.s32 s2, $0x0  }
0x67: {  	s3 =	rddreg [dreg:$0x2];
	[bflag:$0x3] =	sbarrier.arrive $0xFFFF;
	s2 =	simm.s32 @!p0 $0x1C03  }
0x68: {  	[timem:s3], [sflag:s2] =	dma.local @!p0 [hbm:s0], s1  }
0x69: {  	s0 =	simm.s32 @!p0 $0x3  }
0x6a: {  	_ =	swait.ge @!p0 [sflag:s0], s1  }
0x6b: {  	s1 =	ssub.s32 @!p0 $0x0, s1;
	[sflag:s0] =	ssyncset.done @!p0 $0x0  }
0x6c: {  	[sflag:s0] =	ssyncadd.s32 @!p0 s1  }
0x6d: {  	[bflag:$0x3] =	sbarrier.arrive $0xFFFF  }
0x6e: {  	_ =	shalt  }

// kernel: kernel.15.cloned.1.call-start
scs
__scs_entry_jumppad:
0x0: {  	(pc) =	sbr.rel $0x88, $3  }
0x1: {  	(tag) =	ssettag $0x0;
	lr =	simm.s32 $0x1  }
0x2: {  	[smem:$0x3F9B] =	sst lr;
	_ =	strace $0xD0000000  }
0x3: {  	_ = 	snop  }
0x4: {  	_ = 	snop  }
0x5: {  	_ = 	snop  }
0x6: {  	_ = 	snop  }
0x7: {  	_ = 	snop  }
__scs_overlays_trampoline_lowered:
0x8: {  	[smem:$0x3FAA] =	sst s0  }
0x9: {  	[smem:$0x3FAB] =	sst s1  }
0xa: {  	[smem:$0x3FAC] =	sst s2  }
0xb: {  	[smem:$0x3FAD] =	sst s3  }
0xc: {  	[smem:$0x3FAE] =	sst s4  }
0xd: {  	[smem:$0x3FAF] =	sst s5  }
0xe: {  	[smem:$0x3FB0] =	sst s6  }
0xf: {  	[smem:$0x3FB1] =	sst s7  }
0x10: {  	[smem:$0x3FB2] =	sst s8  }
0x11: {  	[smem:$0x3FB3] =	sst s9;
	s0 =	simm.s32 @!p0 $0x0  }
0x12: {  	s1 =	sld [smem:$0x3F99];
	s0 =	simm.s32 @p0 $0x1  }
0x13: {  	[smem:$0x3FB4] =	sst s0;
	s0 =	simm.s32 @!p1 $0x0  }
0x14: {  	s2 =	sld [smem:$0x3F98];
	s0 =	simm.s32 @p1 $0x1  }
0x15: {  	[smem:$0x3FB5] =	sst s0;
	s0 =	simm.s32 @!p2 $0x0  }
0x16: {  	s3 =	sld [smem:$0x3FDB];
	s0 =	simm.s32 @p2 $0x1  }
0x17: {  	s4 =	simm.s32 $0x1BF5;
	[smem:$0x3FB7] =	sst s0  }
0x18: {  	s0 =	sld [smem:$0x3F9A];
	_ =	swait.ge [sflag:s4], $0x0  }
0x19: {  	s7 =	sld [smem:$0x3F9B]  }
0x1a: {  	s8 =	sadd.s32 $0xFFFFE003, lr  }
0x1b: {  	s9 =	sadd.s32 $0xFFFFFEF7, lr;
	s5 =	simm.s32 $0xFFFFFFFF;
	p2 =	slt.u32 s8, $0xFFFFF086  }
0x1c: {  	p1 =	slt.u32 s9, $0xF7A;
	s5 =	simm.s32 @!p2 $0x0  }
0x1d: {  	s5 =	simm.s32 @p1 $0x1;
	p0 =	seq.s32 s7, s2  }
0x1e: {  	s7 =	smul.u32 @!p0 $0xF7A, s2;
	p2 =	seq.s32 @!p0 s5, $0x0  }
0x1f: {  	s9 =	smul.u32 $0xF7A, s1;
	s8 =	simm.s32 @!p0 $0x1BF5;
	p2 =	por !p2, p0  }
0x20: {  	[sflag:s8] =	ssyncset.s32 @!p0 $0xFFFFF086;
	s6 =	sadd.s32 @!p0 s3, s7;
	s7 =	simm.s32 @!p0 $0x108  }
0x21: {  	s3 =	sadd.s32 s3, s9;
	s6 =	sadd.s32 @!p0 $0x88, s6;
	s7 =	simm.s32 @p2 $0x1082  }
0x22: {  	[simem:s7], [sflag:s8] =	dma.local @!p0 [hbm:s6], $0xF7A  }
0x23: {  	s9 =	sor.u32 $0xD0000000, s2;
	s6 =	simm.s32 $0x108;
	_ =	swait.ge @!p0 [sflag:s8], $0x0  }
0x24: {  	s3 =	sadd.s32 $0x88, s3;
	s6 =	simm.s32 @!p1 $0x1082;
	[sflag:s4] =	ssyncset.s32 $0xFFFFF086  }
0x25: {  	[simem:s6], [sflag:s4] =	dma.local [hbm:s3], $0xF7A  }
0x26: {  	[smem:$0x3F9B] =	sst s1;
	(tag) =	ssettag s2;
	_ =	strace s9  }
0x27: {  	s1 =	sld [smem:$0x3FAB]  }
0x28: {  	s2 =	sld [smem:$0x3FAC]  }
0x29: {  	s4 =	sld [smem:$0x3FAE]  }
0x2a: {  	p0 =	seq.s32 s5, $0x0;
	s5 =	sld [smem:$0x3FAF]  }
0x2b: {  	s6 =	sld [smem:$0x3FB0]  }
0x2c: {  	s7 =	sld [smem:$0x3FB1]  }
0x2d: {  	s3 =	simm.s32 $0x108;
	s8 =	sld [smem:$0x3FB2]  }
0x2e: {  	s3 =	simm.s32 @!p0 $0x1082;
	s9 =	sld [smem:$0x3FB3]  }
0x2f: {  	lr =	sadd.s32 s0, s3;
	s0 =	sld [smem:$0x3FAA]  }
0x30: {  	s3 =	sld [smem:$0x3FAD]  }
0x31: {  	[smem:$0x3FB6] =	sst s10  }
0x32: {  	s10 =	sld [smem:$0x3FB4];
	_ =	sdelay $0x3  }
0x33: {  	p0 =	seq.s32 s10, $0x1;
	s10 =	sld [smem:$0x3FB6];
	_ =	sdelay $0x3  }
0x34: {  	[smem:$0x3FB6] =	sst s10  }
0x35: {  	s10 =	sld [smem:$0x3FB5];
	_ =	sdelay $0x3  }
0x36: {  	p1 =	seq.s32 s10, $0x1;
	s10 =	sld [smem:$0x3FB6];
	_ =	sdelay $0x3  }
0x37: {  	[smem:$0x3FB6] =	sst s10  }
0x38: {  	s10 =	sld [smem:$0x3FB7]  }
0x39: {  	_ = 	snop;
	(pc) =	sbr.ind lr, $3  }
0x3a: {  	_ = 	snop  }
0x3b: {  	_ = 	snop  }
0x3c: {  	p2 =	seq.s32 s10, $0x1;
	s10 =	sld [smem:$0x3FB6]  }
0x3d: {  	_ =	shalt  }
0x3e: {  	_ =	shalt  }
0x3f: {  	_ =	shalt  }
0x40: {  	_ =	shalt  }
0x41: {  	_ =	shalt  }
0x42: {  	_ =	shalt  }
0x43: {  	_ =	shalt  }
0x44: {  	_ =	shalt  }
0x45: {  	_ =	shalt  }
0x46: {  	_ =	shalt  }
0x47: {  	_ =	shalt  }
0x48: {  	_ =	shalt  }
0x49: {  	_ =	shalt  }
0x4a: {  	_ =	shalt  }
0x4b: {  	_ =	shalt  }
0x4c: {  	_ =	shalt  }
0x4d: {  	_ =	shalt  }
0x4e: {  	_ =	shalt  }
0x4f: {  	_ =	shalt  }
0x50: {  	_ =	shalt  }
0x51: {  	_ =	shalt  }
0x52: {  	_ =	shalt  }
0x53: {  	_ =	shalt  }
0x54: {  	_ =	shalt  }
0x55: {  	_ =	shalt  }
0x56: {  	_ =	shalt  }
0x57: {  	_ =	shalt  }
0x58: {  	_ =	shalt  }
0x59: {  	_ =	shalt  }
0x5a: {  	_ =	shalt  }
0x5b: {  	_ =	shalt  }
0x5c: {  	_ =	shalt  }
0x5d: {  	_ =	shalt  }
0x5e: {  	_ =	shalt  }
0x5f: {  	_ =	shalt  }
0x60: {  	_ =	shalt  }
0x61: {  	_ =	shalt  }
0x62: {  	_ =	shalt  }
0x63: {  	_ =	shalt  }
0x64: {  	_ =	shalt  }
0x65: {  	_ =	shalt  }
0x66: {  	_ =	shalt  }
0x67: {  	_ =	shalt  }
0x68: {  	_ =	shalt  }
0x69: {  	_ =	shalt  }
0x6a: {  	_ =	shalt  }
0x6b: {  	_ =	shalt  }
0x6c: {  	_ =	shalt  }
0x6d: {  	_ =	shalt  }
0x6e: {  	_ =	shalt  }
0x6f: {  	_ =	shalt  }
0x70: {  	_ =	shalt  }
0x71: {  	_ =	shalt  }
0x72: {  	_ =	shalt  }
0x73: {  	_ =	shalt  }
0x74: {  	_ =	shalt  }
0x75: {  	_ =	shalt  }
0x76: {  	_ =	shalt  }
0x77: {  	_ =	shalt  }
0x78: {  	_ =	shalt  }
0x79: {  	_ =	shalt  }
0x7a: {  	_ =	shalt  }
0x7b: {  	_ =	shalt  }
0x7c: {  	_ =	shalt  }
0x7d: {  	_ =	shalt  }
0x7e: {  	_ =	shalt  }
0x7f: {  	_ =	shalt  }
0x80: {  	_ =	shalt  }
0x81: {  	_ =	shalt  }
0x82: {  	_ =	shalt  }
0x83: {  	_ =	shalt  }
0x84: {  	_ =	shalt  }
0x85: {  	_ =	shalt  }
0x86: {  	_ =	shalt  }
0x87: {  	_ =	shalt  }
.Lfunc_end0:
.L_simem_size_0:
called_computation.2_lowered:
.L_overlay_start_0:
0x88: {  	s2 =	sld [smem:$0x3FD9]  }
0x89: {  	s3 =	sld [smem:$0x3FFE];
	_ =	sdelay $0x1  }
0x8a: {  	s1 =	srdreg.scid  }
0x8b: {  	s0 =	sand.u32 $0x1, s1  }
0x8c: {  	s17 =	sshll.u32 s0, $0xA;
	s2 =	sadd.s32 s3, s2  }
0x8d: {  	s2 =	sadd.s32 s2, s17  }
0x8e: {  	[smem:$0x3FC2] =	sst s2  }
0x8f: {  	_ = 	snop  }
0x90: {  	s2 =	sld [smem:$0x3FD0];
	(tm) =	ssettm $0x1  }
0x91: {  	s18 =	sld [smem:$0x3FFB];
	_ =	sdelay $0x3  }
0x92: {  	_ =	strace s18  }
0x93: {  	s3 =	sld [smem:$0x3FFC];
	_ =	sdelay $0x3  }
0x94: {  	_ =	strace s3  }
0x95: {  	s3 =	sld [smem:$0x3FFD];
	_ =	sdelay $0x3  }
0x96: {  	_ =	strace s3  }
0x97: {  	_ =	strace $0x8FFFFFFF  }
0x98: {  	s19 =	sld [smem:$0x3FDB];
	_ =	sdelay $0x1  }
0x99: {  	s4 =	simm.s32 $_scs_section_size  }
0x9a: {  	s5 =	simm.s32 $_size__tile_overlayer_lowered;
	s6 =	simm.s32 $_tile_overlayer_lowered  }
0x9b: {  	s22 =	simm.s32 $0x1BFF;
	s21 =	sshll.u32 s6, $0x1;
	s3 =	sadd.s32 s4, s19  }
0x9c: {  	s7 =	simm.s32 $0x0;
	s20 =	sshll.u32 s5, $0x1;
	s5 =	sadd.s32 s21, s3  }
0x9d: {  	[timem:s7], [sflag:s22] =	dma.local [hbm:s5], s20  }
0x9e: {  	_ =	swait.ge [sflag:s22], s20  }
0x9f: {  	s4 =	ssub.s32 $0x0, s20;
	[sflag:s22] =	ssyncset.done $0x0  }
0xa0: {  	[sflag:s22] =	ssyncadd.s32 s4;
	_ =	sdelay $0x1  }
0xa1: {  	s23 =	simm.s32 $0x1B8B  }
0xa2: {  	_ =	swait.ge [sflag:s23], $0x1  }
0xa3: {  	[sflag:s23] =	ssyncset.done $0x0  }
0xa4: {  	s25 =	simm.s32 $0x1B8E;
	s24 =	sld [smem:$0x3FFE];
	[sflag:s23] =	ssyncadd.s32 $0xFFFFFFFF  }
0xa5: {  	s26 =	simm.s32 $execute0_lowered;
	[smem:$0x3FD2] =	sst s25  }
0xa6: {  	s5 =	sshll.u32 s26, $0x1;
	_ =	strace $0x8000004C;
	[dreg:$0x1] =	wrdreg $0xFFFFFFFF  }
0xa7: {  	s28 =	simm.s32 $_size_execute0_lowered;
	s3 =	sadd.s32 s3, s5;
	[dreg:$0x0] =	wrdreg $0x0  }
0xa8: {  	s5 =	sshll.u32 s28, $0x1;
	[dreg:$0x2] =	wrdreg s3  }
0xa9: {  	[dreg:$0x3] =	wrdreg s5  }
0xaa: {  	[dreg:$0x4] =	wrdreg $0xC0  }
0xab: {  	_ =	task [dreg:s7], $0x5FFFF  }
0xac: {  	[dreg:$0x1] =	wrdreg $0xFFFFFFFF  }
0xad: {  	[dreg:$0x0] =	wrdreg $0x60  }
0xae: {  	[dreg:$0x2] =	wrdreg s2  }
0xaf: {  	[dreg:$0x3] =	wrdreg s24  }
0xb0: {  	[dreg:$0x4] =	wrdreg $0x7C000  }
0xb1: {  	[dreg:$0x5] =	wrdreg $0x9  }
0xb2: {  	_ =	task.clear_ibuf [dreg:s7], $0x6FFFF;
	_ =	strace $0x9000004C  }
0xb3: {  	s29 =	simm.s32 $0x9;
	_ =	strace $0x8000004E  }
0xb4: {  	_ =	swait.ge [sflag:s29], $0x1  }
0xb5: {  	[sflag:s29] =	ssyncadd.s32 $0xFFFFFFFF  }
0xb6: {  	_ =	strace $0x9000004E  }
0xb7: {  	_ =	sfence  }
0xb8: {  	s30 =	sld [smem:$0x0];
	_ =	sdelay $0x2  }
0xb9: {  	s31 =	sshll.u32 s1, $0xD;
	s1 =	sshrl.u32 s1, $0x2  }
0xba: {  	s3 =	sand.u32 $0x4000, s31;
	s1 =	sadd.s32 s1, s30  }
0xbb: {  	s0 =	sor.u32 s3, s0;
	s1 =	sshll.u32 s1, $0x11  }
0xbc: {  	s0 =	sor.u32 s1, s0  }
0xbd: {  	s0 =	sadd.s32 $0x8F2B, s0  }
0xbe: {  	[sflag:s0] =	ssyncadd.remote.s32 $0x1  }
0xbf: {  	_ =	sfence.sel $0xFFFF  }
0xc0: {  	[dreg:$0x0] =	wrdreg $0xFFFFFFFF;
	(pc) =	sbr.abs _section_cstart, $3  }
0xc1: {  	[dreg:$0x1] =	wrdreg $0xFFFFFFFF  }
0xc2: {  	_ =	task.clear_ibuf [dreg:s7], $0x2FFFF;
	_ =	strace $0x9FFFFFFF  }
0xc3: {  	(tm) =	ssettm $0x7FFFFFFF  }
tec
execute0_lowered:
.L_overlay_start_1:
0x0: {  	(tag) =	ssettag $0x1  }
0x1: {  	s1 =	rddreg [dreg:$0x0]  }
0x2: {  	s2 =	srdreg.scid;
	s7 =	rddreg [dreg:$0x1]  }
0x3: {  	s0 =	stileid.u32;
	s3 =	rddreg [dreg:$0x2]  }
0x4: {  	s4 =	simm.s32 $0x0;
	s15 =	simm.s32 $0x1400;
	s16 =	simm.s32 $0x28  }
0x5: {  	s17 =	simm.s32 $0x5400;
	s18 =	simm.s32 $0x6800;
	s19 =	simm.s32 $0x1  }
0x6: {  	s20 =	simm.s32 $0x2;
	s21 =	simm.s32 $0x5200;
	s22 =	simm.s32 $0x0  }
0x7: {  	s6 =	sand.u32 $0x1, s2;
	s23 =	sshrl.u32 s0, $0x3;
	s10 =	smul.u32 $0x13C00, s0  }
0x8: {  	s2 =	rddreg [dreg:$0x3];
	s9 =	sshll.u32 s0, $0x7;
	s12 =	smul.u32 $0x4E200, s0  }
0x9: {  	[smem:$0x7FF] =	sst s4;
	s26 =	sshll.u32 s0, $0xB;
	s5 =	smul.u32 $0x14000, s6  }
0xa: {  	s30 =	sshll.u32 s0, $0x6;
	s8 =	smul.u32 $0xA000, s23;
	s24 =	sand.u32 $0x380, s9  }
0xb: {  	s25 =	smul.u32 $0x13C000, s6;
	_ =	strace $0x8000004D;
	s9 =	sadd.s32 s26, s7  }
0xc: {  	s28 =	ssub.s32 $0x2, s6;
	s31 =	sshll.u32 s6, $0xF;
	s6 =	sor.u32 $0x1C03, s30  }
0xd: {  	s13 =	sshrl.u32 s28, $0x1;
	s29 =	sshrl.u32 s12, $0x2;
	s5 =	sadd.s32 s5, s8  }
0xe: {  	s8 =	sadd.s32 s10, s25;
	s10 =	ssub.s32 s28, s13;
	s12 =	sadd.s32 s29, s3  }
0xf: {  	s13 =	simm.s32 $0x80;
	s5 =	sor.u32 s24, s5;
	s8 =	sshrl.u32 s8, $0x3  }
0x10: {  	s10 =	smax.u32 s10, $0x1;
	s5 =	sshrl.u32 s5, $0x3;
	s14 =	sadd.s32 s8, s7  }
0x11: {  	s8 =	sadd.s32 s31, s9;
	s11 =	sadd.s32 s5, s7;
	s5 =	sadd.s32 $0x11C00, s7  }
0x12: {  	s8 =	sadd.s32 $0x1C00, s8;
	s9 =	sadd.s32 $0x14400, s14;
	s14 =	simm.s32 $0x400  }
0x13: {  	s7 =	sadd.s32 $0xBA800, s11;
	s11 =	sshrl.u32 s12, $0x3;
	s12 =	simm.s32 $0x3  }
.LBB2_1:
0x14: {  	[spmem:s11], [sflag:s6] =	dma.local [hbm:s5], $0x2710  }
0x15: {  	_ =	swait.ge [sflag:s12], $0x2710  }
0x16: {  	[sflag:s12] =	ssyncset.done $0x0  }
0x17: {  	[sflag:s12] =	ssyncadd.s32 $0xFFFFD8F0  }
0x18: {  	[tilespmem:s4], [sflag:$0x3] =	stream.strided.gather [hbm4b:s7+s13], $0x1400, s14, s13, $0x38;
	[tilespmem:$0x1B480] =	vst v63  }
0x19: {  	_ =	swait.ge [sflag:s12], $0x1400  }
0x1a: {  	[sflag:s12] =	ssyncset.done $0x0  }
0x1b: {  	[sflag:s12] =	ssyncadd.s32 $0xFFFFEC00  }
0x1c: {  	[tilespmem:s15], [sflag:$0x3] =	stream.linear.gather [hbm4b:s8+s4], $0x3E80, $0x38;
	[tilespmem:$0x1B480] =	vst v63  }
0x1d: {  	_ =	swait.ge [sflag:s12], $0x3E80  }
0x1e: {  	[sflag:s12] =	ssyncset.done $0x0  }
0x1f: {  	[sflag:s12] =	ssyncadd.s32 $0xFFFFC180  }
0x20: {  	[bflag:$0x0] =	sbarrier.arrive $0xFFFF  }
0x21: {  	[tilespmem:s17], [sflag:$0x1] =	stream.indirect.gather [hbm4b:s1+s16], $0x80, s4, s16, $0xb8;
	[tilespmem:$0x1B480] =	vst v63  }
0x22: {  	s23 =	simm.s32 $0x28  }
0x23: {  	[tilespmem:s18], [sflag:$0x2] =	stream.indirect.gather [hbm4b:s1+s16], $0x80, s23, s16, $0xb8;
	[tilespmem:$0x1B480] =	vst v63  }
0x24: {  	_ =	swait.ge [sflag:s19], $0x1400  }
0x25: {  	[sflag:s19] =	ssyncset.done $0x0  }
0x26: {  	s29 =	simm.s32 $0x1400;
	[sflag:s19] =	ssyncadd.s32 $0xFFFFEC00  }
0x27: {  	[spmem:s3] =	stream.indirect.scatter.add.f32 [tilespmem:s17], [sflag:$0x3], $0x80, s29, s16, $0xb8;
	[tilespmem:$0x1B480] =	vst v63  }
0x28: {  	_ =	swait.ge [sflag:s12], $0x1400  }
0x29: {  	[sflag:s12] =	ssyncset.done $0x0  }
0x2a: {  	s30 =	simm.s32 $0x50;
	[sflag:s12] =	ssyncadd.s32 $0xFFFFEC00  }
0x2b: {  	[tilespmem:s17], [sflag:$0x1] =	stream.indirect.gather [hbm4b:s1+s16], $0x80, s30, s16, $0xb8;
	[tilespmem:$0x1B480] =	vst v63  }
0x2c: {  	_ =	swait.ge [sflag:s20], $0x1400  }
0x2d: {  	[sflag:s20] =	ssyncset.done $0x0  }
0x2e: {  	s31 =	simm.s32 $0x1480;
	[sflag:s20] =	ssyncadd.s32 $0xFFFFEC00  }
0x2f: {  	[spmem:s3] =	stream.indirect.scatter.add.f32 [tilespmem:s18], [sflag:$0x3], $0x80, s31, s16, $0xb8;
	[tilespmem:$0x1B480] =	vst v63  }
0x30: {  	s24 =	simm.s32 $0x400;
	_ =	swait.ge [sflag:s12], $0x1400  }
0x31: {  	s25 =	simm.s32 $0x800;
	s23 =	simm.s32 $0xA0;
	[sflag:s12] =	ssyncset.done $0x0  }
.LBB2_2:
0x32: {  	p0 =	sne.s32 s25, $0xF400;
	s26 =	sadd.s32 $0xFFFFFFD8, s23;
	[sflag:s12] =	ssyncadd.s32 $0xFFFFEC00  }
0x33: {  	[tilespmem:s18], [sflag:$0x2] =	stream.indirect.gather [hbm4b:s1+s16], $0x80, s26, s16, $0xb8;
	[tilespmem:$0x1B480] =	vst v63  }
0x34: {  	s26 =	smov.u32 s25;
	s25 =	sadd.s32 $0x400, s25;
	_ =	swait.ge [sflag:s19], $0x1400  }
0x35: {  	s28 =	sshra.s32 s24, $0x2;
	s24 =	smov.u32 s26;
	[sflag:s19] =	ssyncset.done $0x0  }
0x36: {  	s26 =	sadd.s32 $0x1400, s28;
	[sflag:s19] =	ssyncadd.s32 $0xFFFFEC00  }
0x37: {  	[spmem:s3] =	stream.indirect.scatter.add.f32 [tilespmem:s17], [sflag:$0x3], $0x80, s26, s16, $0xb8;
	[tilespmem:$0x1B480] =	vst v63  }
0x38: {  	_ =	swait.ge [sflag:s12], $0x1400  }
0x39: {  	[sflag:s12] =	ssyncset.done $0x0  }
0x3a: {  	[sflag:s12] =	ssyncadd.s32 $0xFFFFEC00  }
0x3b: {  	[tilespmem:s17], [sflag:$0x1] =	stream.indirect.gather [hbm4b:s1+s16], $0x80, s23, s16, $0xb8;
	[tilespmem:$0x1B480] =	vst v63  }
0x3c: {  	_ =	swait.ge [sflag:s20], $0x1400  }
.Ltmp0:
0x3d: {  	[sflag:s20] =	ssyncset.done $0x0;
	(pc) =	sbr.rel @p0 .LBB2_2-.Ltmp0, $4  }
0x3e: {  	s26 =	sadd.s32 $0x1480, s28;
	[sflag:s20] =	ssyncadd.s32 $0xFFFFEC00  }
0x3f: {  	[spmem:s3] =	stream.indirect.scatter.add.f32 [tilespmem:s18], [sflag:$0x3], $0x80, s26, s16, $0xb8;
	[tilespmem:$0x1B480] =	vst v63  }
0x40: {  	_ =	swait.ge [sflag:s12], $0x1400  }
0x41: {  	s23 =	sadd.s32 $0x50, s23;
	[sflag:s12] =	ssyncset.done $0x0  }
0x42: {  	s25 =	sadd.s32 $0xFFFFFFD8, s23;
	[sflag:s12] =	ssyncadd.s32 $0xFFFFEC00  }
0x43: {  	[tilespmem:s18], [sflag:$0x2] =	stream.indirect.gather [hbm4b:s1+s16], $0x80, s25, s16, $0xb8;
	[tilespmem:$0x1B480] =	vst v63  }
0x44: {  	_ =	swait.ge [sflag:s19], $0x1400  }
0x45: {  	s24 =	sshra.s32 s24, $0x2;
	[sflag:s19] =	ssyncset.done $0x0  }
0x46: {  	s30 =	sadd.s32 $0x1400, s24;
	[sflag:s19] =	ssyncadd.s32 $0xFFFFEC00  }
0x47: {  	[spmem:s3] =	stream.indirect.scatter.add.f32 [tilespmem:s17], [sflag:$0x3], $0x80, s30, s16, $0xb8;
	[tilespmem:$0x1B480] =	vst v63  }
0x48: {  	_ =	swait.ge [sflag:s12], $0x1400  }
0x49: {  	[sflag:s12] =	ssyncset.done $0x0  }
0x4a: {  	[sflag:s12] =	ssyncadd.s32 $0xFFFFEC00  }
0x4b: {  	[tilespmem:s17], [sflag:$0x1] =	stream.indirect.gather [hbm4b:s1+s16], $0x80, s23, s16, $0xb8;
	[tilespmem:$0x1B480] =	vst v63  }
0x4c: {  	_ =	swait.ge [sflag:s20], $0x1400  }
0x4d: {  	[sflag:s20] =	ssyncset.done $0x0  }
0x4e: {  	s31 =	sadd.s32 $0x1480, s24;
	[sflag:s20] =	ssyncadd.s32 $0xFFFFEC00  }
0x4f: {  	[spmem:s3] =	stream.indirect.scatter.add.f32 [tilespmem:s18], [sflag:$0x3], $0x80, s31, s16, $0xb8;
	[tilespmem:$0x1B480] =	vst v63  }
0x50: {  	_ =	swait.ge [sflag:s12], $0x1400  }
0x51: {  	[sflag:s12] =	ssyncset.done $0x0  }
0x52: {  	[sflag:s12] =	ssyncadd.s32 $0xFFFFEC00  }
0x53: {  	_ =	swait.ge [sflag:s19], $0x1400  }
0x54: {  	[sflag:s19] =	ssyncset.done $0x0  }
0x55: {  	[sflag:s19] =	ssyncadd.s32 $0xFFFFEC00  }
0x56: {  	[spmem:s3] =	stream.indirect.scatter.add.f32 [tilespmem:s17], [sflag:$0x3], $0x80, s21, s16, $0xb8;
	[tilespmem:$0x1B480] =	vst v63  }
0x57: {  	_ =	swait.ge [sflag:s12], $0x1400  }
0x58: {  	s22 =	sadd.s32 $0x1, s22;
	[sflag:s12] =	ssyncset.done $0x0  }
0x59: {  	p0 =	sne.s32 s22, s10;
	[sflag:s12] =	ssyncadd.s32 $0xFFFFEC00  }
.Ltmp1:
0x5a: {  	[bflag:$0x0] =	sbarrier.arrive $0xFFFF;
	(pc) =	sbr.rel @p0 .LBB2_1-.Ltmp1, $4  }
0x5b: {  	[hbm:s9], [sflag:s6] =	dma.local [spmem:s11], $0x2710  }
0x5c: {  	_ =	swait.ge [sflag:s12], $0x2710  }
0x5d: {  	[sflag:s12] =	ssyncset.done $0x0  }
0x5e: {  	[sflag:s12] =	ssyncadd.s32 $0xFFFFD8F0  }
0x5f: {  	_ =	sfence.sel $0x180000  }
0x60: {  	[bflag:$0x0] =	sbarrier.arrive $0xFFFF  }
0x61: {  	p0 =	sne.s32 s0, $0x0;
	_ =	strace $0x9000004D  }
0x62: {  	s0 =	sadd.s32 @!p0 $0x100000, s2;
	[bflag:$0x2] =	sbarrier.arrive $0xFFFF  }
0x63: {  	[sflag:s0] =	ssyncadd.tile.s32 @!p0 $0x1;
	_ =	shalt  }
.Lfunc_end2:
_tile_overlayer_lowered:
.L_overlay_start_2:
0x64: {  	(tag) =	ssettag $0x2  }
0x65: {  	s0 =	rddreg [dreg:$0x0];
	s2 =	stileid.u32  }
0x66: {  	s1 =	rddreg [dreg:$0x1];
	p0 =	sne.s32 s2, $0x0  }
0x67: {  	s3 =	rddreg [dreg:$0x2];
	[bflag:$0x3] =	sbarrier.arrive $0xFFFF;
	s2 =	simm.s32 @!p0 $0x1C03  }
0x68: {  	[timem:s3], [sflag:s2] =	dma.local @!p0 [hbm:s0], s1  }
0x69: {  	s0 =	simm.s32 @!p0 $0x3  }
0x6a: {  	_ =	swait.ge @!p0 [sflag:s0], s1  }
0x6b: {  	s1 =	ssub.s32 @!p0 $0x0, s1;
	[sflag:s0] =	ssyncset.done @!p0 $0x0  }
0x6c: {  	[sflag:s0] =	ssyncadd.s32 @!p0 s1  }
0x6d: {  	[bflag:$0x3] =	sbarrier.arrive $0xFFFF  }
0x6e: {  	_ =	shalt  }

// kernel: kernel.9.cloned.1.call-start
scs
__scs_entry_jumppad:
0x0: {  	(pc) =	sbr.rel $0x88, $3  }
0x1: {  	(tag) =	ssettag $0x0;
	lr =	simm.s32 $0x1  }
0x2: {  	[smem:$0x3F9B] =	sst lr;
	_ =	strace $0xD0000000  }
0x3: {  	_ = 	snop  }
0x4: {  	_ = 	snop  }
0x5: {  	_ = 	snop  }
0x6: {  	_ = 	snop  }
0x7: {  	_ = 	snop  }
__scs_overlays_trampoline_lowered:
0x8: {  	[smem:$0x3FAA] =	sst s0  }
0x9: {  	[smem:$0x3FAB] =	sst s1  }
0xa: {  	[smem:$0x3FAC] =	sst s2  }
0xb: {  	[smem:$0x3FAD] =	sst s3  }
0xc: {  	[smem:$0x3FAE] =	sst s4  }
0xd: {  	[smem:$0x3FAF] =	sst s5  }
0xe: {  	[smem:$0x3FB0] =	sst s6  }
0xf: {  	[smem:$0x3FB1] =	sst s7  }
0x10: {  	[smem:$0x3FB2] =	sst s8  }
0x11: {  	[smem:$0x3FB3] =	sst s9;
	s0 =	simm.s32 @!p0 $0x0  }
0x12: {  	s1 =	sld [smem:$0x3F99];
	s0 =	simm.s32 @p0 $0x1  }
0x13: {  	[smem:$0x3FB4] =	sst s0;
	s0 =	simm.s32 @!p1 $0x0  }
0x14: {  	s2 =	sld [smem:$0x3F98];
	s0 =	simm.s32 @p1 $0x1  }
0x15: {  	[smem:$0x3FB5] =	sst s0;
	s0 =	simm.s32 @!p2 $0x0  }
0x16: {  	s3 =	sld [smem:$0x3FDB];
	s0 =	simm.s32 @p2 $0x1  }
0x17: {  	s4 =	simm.s32 $0x1BF5;
	[smem:$0x3FB7] =	sst s0  }
0x18: {  	s0 =	sld [smem:$0x3F9A];
	_ =	swait.ge [sflag:s4], $0x0  }
0x19: {  	s7 =	sld [smem:$0x3F9B]  }
0x1a: {  	s8 =	sadd.s32 $0xFFFFE003, lr  }
0x1b: {  	s9 =	sadd.s32 $0xFFFFFEF7, lr;
	s5 =	simm.s32 $0xFFFFFFFF;
	p2 =	slt.u32 s8, $0xFFFFF086  }
0x1c: {  	p1 =	slt.u32 s9, $0xF7A;
	s5 =	simm.s32 @!p2 $0x0  }
0x1d: {  	s5 =	simm.s32 @p1 $0x1;
	p0 =	seq.s32 s7, s2  }
0x1e: {  	s7 =	smul.u32 @!p0 $0xF7A, s2;
	p2 =	seq.s32 @!p0 s5, $0x0  }
0x1f: {  	s9 =	smul.u32 $0xF7A, s1;
	s8 =	simm.s32 @!p0 $0x1BF5;
	p2 =	por !p2, p0  }
0x20: {  	[sflag:s8] =	ssyncset.s32 @!p0 $0xFFFFF086;
	s6 =	sadd.s32 @!p0 s3, s7;
	s7 =	simm.s32 @!p0 $0x108  }
0x21: {  	s3 =	sadd.s32 s3, s9;
	s6 =	sadd.s32 @!p0 $0x88, s6;
	s7 =	simm.s32 @p2 $0x1082  }
0x22: {  	[simem:s7], [sflag:s8] =	dma.local @!p0 [hbm:s6], $0xF7A  }
0x23: {  	s9 =	sor.u32 $0xD0000000, s2;
	s6 =	simm.s32 $0x108;
	_ =	swait.ge @!p0 [sflag:s8], $0x0  }
0x24: {  	s3 =	sadd.s32 $0x88, s3;
	s6 =	simm.s32 @!p1 $0x1082;
	[sflag:s4] =	ssyncset.s32 $0xFFFFF086  }
0x25: {  	[simem:s6], [sflag:s4] =	dma.local [hbm:s3], $0xF7A  }
0x26: {  	[smem:$0x3F9B] =	sst s1;
	(tag) =	ssettag s2;
	_ =	strace s9  }
0x27: {  	s1 =	sld [smem:$0x3FAB]  }
0x28: {  	s2 =	sld [smem:$0x3FAC]  }
0x29: {  	s4 =	sld [smem:$0x3FAE]  }
0x2a: {  	p0 =	seq.s32 s5, $0x0;
	s5 =	sld [smem:$0x3FAF]  }
0x2b: {  	s6 =	sld [smem:$0x3FB0]  }
0x2c: {  	s7 =	sld [smem:$0x3FB1]  }
0x2d: {  	s3 =	simm.s32 $0x108;
	s8 =	sld [smem:$0x3FB2]  }
0x2e: {  	s3 =	simm.s32 @!p0 $0x1082;
	s9 =	sld [smem:$0x3FB3]  }
0x2f: {  	lr =	sadd.s32 s0, s3;
	s0 =	sld [smem:$0x3FAA]  }
0x30: {  	s3 =	sld [smem:$0x3FAD]  }
0x31: {  	[smem:$0x3FB6] =	sst s10  }
0x32: {  	s10 =	sld [smem:$0x3FB4];
	_ =	sdelay $0x3  }
0x33: {  	p0 =	seq.s32 s10, $0x1;
	s10 =	sld [smem:$0x3FB6];
	_ =	sdelay $0x3  }
0x34: {  	[smem:$0x3FB6] =	sst s10  }
0x35: {  	s10 =	sld [smem:$0x3FB5];
	_ =	sdelay $0x3  }
0x36: {  	p1 =	seq.s32 s10, $0x1;
	s10 =	sld [smem:$0x3FB6];
	_ =	sdelay $0x3  }
0x37: {  	[smem:$0x3FB6] =	sst s10  }
0x38: {  	s10 =	sld [smem:$0x3FB7]  }
0x39: {  	_ = 	snop;
	(pc) =	sbr.ind lr, $3  }
0x3a: {  	_ = 	snop  }
0x3b: {  	_ = 	snop  }
0x3c: {  	p2 =	seq.s32 s10, $0x1;
	s10 =	sld [smem:$0x3FB6]  }
0x3d: {  	_ =	shalt  }
0x3e: {  	_ =	shalt  }
0x3f: {  	_ =	shalt  }
0x40: {  	_ =	shalt  }
0x41: {  	_ =	shalt  }
0x42: {  	_ =	shalt  }
0x43: {  	_ =	shalt  }
0x44: {  	_ =	shalt  }
0x45: {  	_ =	shalt  }
0x46: {  	_ =	shalt  }
0x47: {  	_ =	shalt  }
0x48: {  	_ =	shalt  }
0x49: {  	_ =	shalt  }
0x4a: {  	_ =	shalt  }
0x4b: {  	_ =	shalt  }
0x4c: {  	_ =	shalt  }
0x4d: {  	_ =	shalt  }
0x4e: {  	_ =	shalt  }
0x4f: {  	_ =	shalt  }
0x50: {  	_ =	shalt  }
0x51: {  	_ =	shalt  }
0x52: {  	_ =	shalt  }
0x53: {  	_ =	shalt  }
0x54: {  	_ =	shalt  }
0x55: {  	_ =	shalt  }
0x56: {  	_ =	shalt  }
0x57: {  	_ =	shalt  }
0x58: {  	_ =	shalt  }
0x59: {  	_ =	shalt  }
0x5a: {  	_ =	shalt  }
0x5b: {  	_ =	shalt  }
0x5c: {  	_ =	shalt  }
0x5d: {  	_ =	shalt  }
0x5e: {  	_ =	shalt  }
0x5f: {  	_ =	shalt  }
0x60: {  	_ =	shalt  }
0x61: {  	_ =	shalt  }
0x62: {  	_ =	shalt  }
0x63: {  	_ =	shalt  }
0x64: {  	_ =	shalt  }
0x65: {  	_ =	shalt  }
0x66: {  	_ =	shalt  }
0x67: {  	_ =	shalt  }
0x68: {  	_ =	shalt  }
0x69: {  	_ =	shalt  }
0x6a: {  	_ =	shalt  }
0x6b: {  	_ =	shalt  }
0x6c: {  	_ =	shalt  }
0x6d: {  	_ =	shalt  }
0x6e: {  	_ =	shalt  }
0x6f: {  	_ =	shalt  }
0x70: {  	_ =	shalt  }
0x71: {  	_ =	shalt  }
0x72: {  	_ =	shalt  }
0x73: {  	_ =	shalt  }
0x74: {  	_ =	shalt  }
0x75: {  	_ =	shalt  }
0x76: {  	_ =	shalt  }
0x77: {  	_ =	shalt  }
0x78: {  	_ =	shalt  }
0x79: {  	_ =	shalt  }
0x7a: {  	_ =	shalt  }
0x7b: {  	_ =	shalt  }
0x7c: {  	_ =	shalt  }
0x7d: {  	_ =	shalt  }
0x7e: {  	_ =	shalt  }
0x7f: {  	_ =	shalt  }
0x80: {  	_ =	shalt  }
0x81: {  	_ =	shalt  }
0x82: {  	_ =	shalt  }
0x83: {  	_ =	shalt  }
0x84: {  	_ =	shalt  }
0x85: {  	_ =	shalt  }
0x86: {  	_ =	shalt  }
0x87: {  	_ =	shalt  }
.Lfunc_end0:
.L_simem_size_0:
called_computation_lowered:
.L_overlay_start_0:
0x88: {  	s2 =	sld [smem:$0x3FD9]  }
0x89: {  	s3 =	sld [smem:$0x3FFE];
	_ =	sdelay $0x1  }
0x8a: {  	s1 =	srdreg.scid  }
0x8b: {  	s0 =	sand.u32 $0x1, s1  }
0x8c: {  	s16 =	sshll.u32 s0, $0xA;
	s2 =	sadd.s32 s3, s2  }
0x8d: {  	s2 =	sadd.s32 s2, s16  }
0x8e: {  	[smem:$0x3FC2] =	sst s2  }
0x8f: {  	_ = 	snop  }
0x90: {  	(tm) =	ssettm $0x1  }
0x91: {  	s17 =	sld [smem:$0x3FFB];
	_ =	sdelay $0x3  }
0x92: {  	_ =	strace s17  }
0x93: {  	s2 =	sld [smem:$0x3FFC];
	_ =	sdelay $0x3  }
0x94: {  	_ =	strace s2  }
0x95: {  	s2 =	sld [smem:$0x3FFD];
	_ =	sdelay $0x3  }
0x96: {  	_ =	strace s2  }
0x97: {  	_ =	strace $0x8FFFFFFF  }
0x98: {  	s18 =	sld [smem:$0x3FDB];
	_ =	sdelay $0x1  }
0x99: {  	s19 =	simm.s32 $_scs_section_size  }
0x9a: {  	s4 =	simm.s32 $_size__tile_overlayer_lowered;
	s5 =	simm.s32 $_tile_overlayer_lowered  }
0x9b: {  	s22 =	simm.s32 $0x1BFF;
	s21 =	sshll.u32 s5, $0x1;
	s2 =	sadd.s32 s19, s18  }
0x9c: {  	s6 =	simm.s32 $0x0;
	s20 =	sshll.u32 s4, $0x1;
	s4 =	sadd.s32 s21, s2  }
0x9d: {  	[timem:s6], [sflag:s22] =	dma.local [hbm:s4], s20  }
0x9e: {  	_ =	swait.ge [sflag:s22], s20  }
0x9f: {  	s3 =	ssub.s32 $0x0, s20;
	[sflag:s22] =	ssyncset.done $0x0  }
0xa0: {  	[sflag:s22] =	ssyncadd.s32 s3;
	_ =	sdelay $0x1  }
0xa1: {  	s23 =	simm.s32 $0x1B8B  }
0xa2: {  	_ =	swait.ge [sflag:s23], $0x1  }
0xa3: {  	[sflag:s23] =	ssyncset.done $0x0  }
0xa4: {  	s25 =	simm.s32 $0x1B8E;
	s24 =	sld [smem:$0x3FFE];
	[sflag:s23] =	ssyncadd.s32 $0xFFFFFFFF  }
0xa5: {  	s26 =	simm.s32 $execute0_lowered;
	[smem:$0x3FD2] =	sst s25  }
0xa6: {  	s4 =	sshll.u32 s26, $0x1;
	_ =	strace $0x80000046;
	[dreg:$0x1] =	wrdreg $0xFFFFFFFF  }
0xa7: {  	s28 =	simm.s32 $_size_execute0_lowered;
	s2 =	sadd.s32 s2, s4;
	[dreg:$0x0] =	wrdreg $0x0  }
0xa8: {  	s4 =	sshll.u32 s28, $0x1;
	[dreg:$0x2] =	wrdreg s2  }
0xa9: {  	[dreg:$0x3] =	wrdreg s4  }
0xaa: {  	[dreg:$0x4] =	wrdreg $0xC0  }
0xab: {  	_ =	task [dreg:s6], $0x5FFFF  }
0xac: {  	[dreg:$0x1] =	wrdreg $0xFFFFFFFF  }
0xad: {  	[dreg:$0x0] =	wrdreg $0x60  }
0xae: {  	[dreg:$0x2] =	wrdreg s24  }
0xaf: {  	[dreg:$0x3] =	wrdreg $0x54000  }
0xb0: {  	[dreg:$0x4] =	wrdreg $0x9  }
0xb1: {  	_ =	task.clear_ibuf [dreg:s6], $0x5FFFF;
	_ =	strace $0x90000046  }
0xb2: {  	s29 =	simm.s32 $0x9;
	_ =	strace $0x80000048  }
0xb3: {  	_ =	swait.ge [sflag:s29], $0x1  }
0xb4: {  	[sflag:s29] =	ssyncadd.s32 $0xFFFFFFFF  }
0xb5: {  	_ =	strace $0x90000048  }
0xb6: {  	_ =	sfence  }
0xb7: {  	s30 =	sld [smem:$0x0];
	_ =	sdelay $0x2  }
0xb8: {  	s31 =	sshll.u32 s1, $0xD;
	s1 =	sshrl.u32 s1, $0x2  }
0xb9: {  	s3 =	sand.u32 $0x4000, s31;
	s1 =	sadd.s32 s1, s30  }
0xba: {  	s0 =	sor.u32 s3, s0;
	s1 =	sshll.u32 s1, $0x11  }
0xbb: {  	s0 =	sor.u32 s1, s0  }
0xbc: {  	s0 =	sadd.s32 $0x8F2B, s0  }
0xbd: {  	[sflag:s0] =	ssyncadd.remote.s32 $0x1  }
0xbe: {  	_ =	sfence.sel $0xFFFF  }
0xbf: {  	[dreg:$0x0] =	wrdreg $0xFFFFFFFF;
	(pc) =	sbr.abs _section_cstart, $3  }
0xc0: {  	[dreg:$0x1] =	wrdreg $0xFFFFFFFF  }
0xc1: {  	_ =	task.clear_ibuf [dreg:s6], $0x2FFFF;
	_ =	strace $0x9FFFFFFF  }
0xc2: {  	(tm) =	ssettm $0x7FFFFFFF  }
0xc3: {  	_ =	shalt  }
tec
execute0_lowered:
.L_overlay_start_1:
0x0: {  	(tag) =	ssettag $0x1  }
0x1: {  	s6 =	rddreg [dreg:$0x0]  }
0x2: {  	s1 =	rddreg [dreg:$0x1]  }
0x3: {  	s2 =	srdreg.scid;
	s0 =	rddreg [dreg:$0x2]  }
0x4: {  	s3 =	simm.s32 $0x0;
	s13 =	simm.s32 $0x28;
	s14 =	simm.s32 $0x1  }
0x5: {  	s15 =	simm.s32 $0x0;
	s7 =	sand.u32 $0x1, s2;
	s2 =	stileid.u32  }
0x6: {  	[smem:$0x7FF] =	sst s3;
	s5 =	smul.u32 $0x13C000, s7;
	s4 =	sshll.u32 s2, $0xB  }
0x7: {  	s8 =	smul.u32 $0x13C00, s2;
	_ =	strace $0x80000047;
	s29 =	ssub.s32 $0x2, s7  }
0x8: {  	s12 =	smul.u32 $0x4E200, s2;
	s31 =	sshll.u32 s2, $0x6;
	s7 =	sshll.u32 s7, $0xF  }
0x9: {  	s9 =	sadd.s32 s4, s6;
	s4 =	sadd.s32 $0x11C00, s6;
	s11 =	sshrl.u32 s29, $0x1  }
0xa: {  	s5 =	sadd.s32 s8, s5;
	s11 =	ssub.s32 s29, s11;
	s30 =	sshrl.u32 s12, $0x2  }
0xb: {  	s7 =	sadd.s32 s7, s9;
	s10 =	sshrl.u32 s5, $0x3;
	s5 =	sadd.s32 $0x14400, s6  }
0xc: {  	s12 =	sadd.s32 s30, s1;
	s7 =	sadd.s32 $0x1C00, s7;
	s9 =	smax.u32 s11, $0x1  }
0xd: {  	s11 =	simm.s32 $0x2;
	s10 =	sadd.s32 s10, s6;
	s6 =	sor.u32 $0x1C02, s31  }
0xe: {  	s8 =	sadd.s32 $0x14800, s10;
	s10 =	sshrl.u32 s12, $0x3;
	s12 =	simm.s32 $0x4000  }
.LBB2_1:
0xf: {  	[spmem:s10], [sflag:s6] =	dma.local [hbm:s4], $0x2710  }
0x10: {  	_ =	swait.ge [sflag:s11], $0x2710  }
0x11: {  	[sflag:s11] =	ssyncset.done $0x0  }
0x12: {  	[sflag:s11] =	ssyncadd.s32 $0xFFFFD8F0  }
0x13: {  	[tilespmem:s12], [sflag:$0x2] =	stream.linear.gather [hbm4b:s5+s3], $0x1400, $0x38;
	[tilespmem:$0x18C80] =	vst v63  }
0x14: {  	_ =	swait.ge [sflag:s11], $0x1400  }
0x15: {  	[sflag:s11] =	ssyncset.done $0x0  }
0x16: {  	[sflag:s11] =	ssyncadd.s32 $0xFFFFEC00  }
0x17: {  	[tilespmem:s3], [sflag:$0x2] =	stream.linear.gather [hbm4b:s7+s3], $0x3E80, $0x38;
	[tilespmem:$0x18C80] =	vst v63  }
0x18: {  	_ =	swait.ge [sflag:s11], $0x3E80  }
0x19: {  	[sflag:s11] =	ssyncset.done $0x0  }
0x1a: {  	[sflag:s11] =	ssyncadd.s32 $0xFFFFC180  }
0x1b: {  	s16 =	simm.s32 $0x0;
	[bflag:$0x0] =	sbarrier.arrive $0xFFFF  }
.LBB2_2:
0x1c: {  	p0 =	sne.s32 s16, $0xF800  }
.Ltmp0:
0x1d: {  	_ = 	snop;
	(pc) =	sbr.rel @p0 .LBB2_2-.Ltmp0, $3  }
0x1e: {  	_ =	sdelay $0x1  }
0x1f: {  	s17 =	sshra.s32 s16, $0x2;
	s16 =	sadd.s32 $0x200, s16  }
0x20: {  	[spmem:s1] =	stream.indirect.scatter.add.f32 [tilespmem:s12], [sflag:$0x1], $0x80, s17, s13, $0xb8;
	[tilespmem:$0x18C80] =	vst v63  }
0x21: {  	_ =	swait.ge [sflag:s14], $0x1400  }
0x22: {  	s16 =	simm.s32 $0x7C;
	[sflag:s14] =	ssyncset.done $0x0  }
.LBB2_4:
0x23: {  	p0 =	sne.s32 s16, $0x1;
	s16 =	sadd.s32 $0xFFFFFFFF, s16;
	[sflag:s14] =	ssyncadd.s32 $0xFFFFEC00  }
.Ltmp1:
0x24: {  	(pc) =	sbr.rel @p0 .LBB2_4-.Ltmp1, $3  }
0x25: {  	_ =	sdelay $0x1  }
0x26: {  	_ =	swait.ge [sflag:s14], $0x1400  }
0x27: {  	[sflag:s14] =	ssyncset.done $0x0  }
0x28: {  	s15 =	sadd.s32 $0x1, s15  }
0x29: {  	[sflag:s14] =	ssyncadd.s32 $0xFFFFEC00;
	p0 =	sne.s32 s15, s9  }
.Ltmp2:
0x2a: {  	[bflag:$0x0] =	sbarrier.arrive $0xFFFF;
	(pc) =	sbr.rel @p0 .LBB2_1-.Ltmp2, $4  }
0x2b: {  	[hbm:s8], [sflag:s6] =	dma.local [spmem:s10], $0x2710  }
0x2c: {  	_ =	swait.ge [sflag:s11], $0x2710  }
0x2d: {  	[sflag:s11] =	ssyncset.done $0x0  }
0x2e: {  	[sflag:s11] =	ssyncadd.s32 $0xFFFFD8F0  }
0x2f: {  	_ =	sfence.sel $0x180000  }
0x30: {  	[bflag:$0x0] =	sbarrier.arrive $0xFFFF  }
0x31: {  	p0 =	sne.s32 s2, $0x0;
	_ =	strace $0x90000047  }
0x32: {  	s0 =	sadd.s32 @!p0 $0x100000, s0;
	[bflag:$0x2] =	sbarrier.arrive $0xFFFF  }
0x33: {  	[sflag:s0] =	ssyncadd.tile.s32 @!p0 $0x1;
	_ =	shalt  }
.Lfunc_end2:
_tile_overlayer_lowered:
.L_overlay_start_2:
0x34: {  	(tag) =	ssettag $0x2  }
0x35: {  	s0 =	rddreg [dreg:$0x0];
	s2 =	stileid.u32  }
0x36: {  	s1 =	rddreg [dreg:$0x1];
	p0 =	sne.s32 s2, $0x0  }
0x37: {  	s3 =	rddreg [dreg:$0x2];
	[bflag:$0x3] =	sbarrier.arrive $0xFFFF;
	s2 =	simm.s32 @!p0 $0x1C02  }
0x38: {  	[timem:s3], [sflag:s2] =	dma.local @!p0 [hbm:s0], s1  }
0x39: {  	s0 =	simm.s32 @!p0 $0x2  }
0x3a: {  	_ =	swait.ge @!p0 [sflag:s0], s1  }
0x3b: {  	s1 =	ssub.s32 @!p0 $0x0, s1;
	[sflag:s0] =	ssyncset.done @!p0 $0x0  }
0x3c: {  	[sflag:s0] =	ssyncadd.s32 @!p0 s1  }
0x3d: {  	[bflag:$0x3] =	sbarrier.arrive $0xFFFF  }
0x3e: {  	_ =	shalt  }

</sc_bundles>
